<compile_context>
chip_gen: v7x
topology: tpu7x:2x2x1
jax: 0.10.2.dev20260603
libtpu: 0.0.44.dev20260713+nightly
codegen_flags: <defaults>
</compile_context>

<pallas_src>
import functools

import jax
import jax.numpy as jnp
from jax import lax
from jax.experimental import pallas as pl
from jax.experimental.pallas import tpu as pltpu
from jax.experimental.pallas import tpu_sc as plsc

BATCH = 16384
EMBED = 64
NC = 2
NS = 16
NW = NC * NS
B_PER_W = BATCH // NW
PB = 32
NPH = B_PER_W // PB
L = 16


def _gather_body(idx_hbm, eye_hbm, tab, out, idx_vm, eye_vm, rows, sem):
    wid = lax.axis_index("s") * NC + lax.axis_index("c")
    base = wid * B_PER_W
    pltpu.sync_copy(idx_hbm.at[pl.ds(base, B_PER_W)], idx_vm)
    pltpu.sync_copy(eye_hbm, eye_vm)

    def scalar_idx(k):
        start = pl.multiple_of((k // L) * L, L)
        chunk = idx_vm[pl.ds(start, L)]
        mask = eye_vm[k % L, pl.ds(0, L)]
        return jnp.max(chunk * mask)

    def fire(k, _):
        i = scalar_idx(k)
        pltpu.async_copy(tab.at[pl.ds(i, 1)], rows.at[pl.ds(k, 1)], sem)
        return 0

    def drain(k, _):
        pltpu.make_async_copy(tab.at[pl.ds(0, 1)],
                              rows.at[pl.ds(k, 1)], sem).wait()
        return 0

    lax.fori_loop(0, B_PER_W, fire, 0)
    lax.fori_loop(0, B_PER_W, drain, 0)
    pltpu.sync_copy(rows, out.at[pl.ds(base, B_PER_W)])


@functools.cache
def _make_gather():
    return functools.partial(
        pl.kernel,
        mesh=plsc.VectorSubcoreMesh(core_axis_name="c", subcore_axis_name="s"),
        compiler_params=pltpu.CompilerParams(
            needs_layout_passes=False, use_tc_tiling_on_sc=False),
        out_type=jax.ShapeDtypeStruct((BATCH, EMBED), jnp.float32),
        scratch_types=[
            pltpu.VMEM((B_PER_W,), jnp.int32),
            pltpu.VMEM((L, 2 * EMBED), jnp.int32),
            pltpu.VMEM((B_PER_W, EMBED), jnp.float32),
            pltpu.SemaphoreType.DMA,
        ],
    )(_gather_body)


def _bn_relu(h, g, be, eps=1e-5):
    mean = jnp.mean(h, axis=0, keepdims=True)
    c = h - mean
    var = jnp.mean(c * c, axis=0, keepdims=True)
    return jnp.maximum(c * lax.rsqrt(var + eps) * g + be, 0.0)


def _mlp_body(u_ref, v_ref, w1a_ref, w1b_ref, b1_ref, g1_ref, be1_ref,
              w2_ref, b2_ref, g2_ref, be2_ref, w3_ref, b3_ref, out_ref):
    h = (jnp.dot(u_ref[...], w1a_ref[...], preferred_element_type=jnp.float32)
         + jnp.dot(v_ref[...], w1b_ref[...], preferred_element_type=jnp.float32)
         + b1_ref[...])
    h = _bn_relu(h, g1_ref[...], be1_ref[...])
    h2 = jnp.dot(h, w2_ref[...], preferred_element_type=jnp.float32) + b2_ref[...]
    h2 = _bn_relu(h2, g2_ref[...], be2_ref[...])
    out_ref[...] = (jnp.dot(h2, w3_ref[...], preferred_element_type=jnp.float32)
                    + b3_ref[...])


_mlp = pl.pallas_call(
    _mlp_body,
    out_shape=jax.ShapeDtypeStruct((BATCH, 1), jnp.float32),
)


def kernel(user_input, book_input, user_table, book_table,
           W1, b1, g1, be1, W2, b2, g2, be2, W3, b3):
    gather = _make_gather()
    eye = jnp.eye(L, 2 * EMBED, dtype=jnp.int32)
    v_rows = gather(book_input, eye, book_table)
    u_rows = gather(user_input, eye, user_table)
    out = _mlp(u_rows, v_rows, W1[:EMBED], W1[EMBED:],
               b1.reshape(1, -1), g1.reshape(1, -1), be1.reshape(1, -1),
               W2, b2.reshape(1, -1), g2.reshape(1, -1), be2.reshape(1, -1),
               W3, b3.reshape(1, 1))
    return out.reshape(BATCH)

# --- scband reference (transcript-rebuilt; emitter-appended) ---
"""Pipeline reference for scband-ncfmodel-78116865180291 (READ-ONLY COPY).

The authoritative reference and input builder live on the scoring server;
editing this copy changes nothing except your own understanding.
"""

import jax, jax.numpy as jnp
import numpy as np

NUM_USERS = 1000000
NUM_BOOKS = 100000
EMBED = 64
BATCH = 16384


def setup_inputs(seed: int = 0) -> dict:
    key = jax.random.key(seed)
    ks = jax.random.split(key, 16)
    user_input = jax.random.randint(ks[0], (BATCH,), 0, NUM_USERS, dtype=jnp.int64 if jax.config.jax_enable_x64 else jnp.int32).astype(jnp.int32)
    book_input = jax.random.randint(ks[1], (BATCH,), 0, NUM_BOOKS, dtype=jnp.int32)
    user_table = jax.random.normal(ks[2], (NUM_USERS, EMBED), dtype=jnp.float32)
    book_table = jax.random.normal(ks[3], (NUM_BOOKS, EMBED), dtype=jnp.float32)
    W1 = jax.random.normal(ks[4], (2 * EMBED, 64), dtype=jnp.float32) * (1.0 / np.sqrt(2 * EMBED))
    b1 = jnp.zeros((64,), dtype=jnp.float32)
    g1 = jnp.ones((64,), dtype=jnp.float32)
    be1 = jnp.zeros((64,), dtype=jnp.float32)
    W2 = jax.random.normal(ks[5], (64, 32), dtype=jnp.float32) * (1.0 / np.sqrt(64))
    b2 = jnp.zeros((32,), dtype=jnp.float32)
    g2 = jnp.ones((32,), dtype=jnp.float32)
    be2 = jnp.zeros((32,), dtype=jnp.float32)
    W3 = jax.random.normal(ks[6], (32, 1), dtype=jnp.float32) * (1.0 / np.sqrt(32))
    b3 = jnp.zeros((1,), dtype=jnp.float32)
    return {
        "user_input": user_input, "book_input": book_input,
        "user_table": user_table, "book_table": book_table,
        "W1": W1, "b1": b1, "g1": g1, "be1": be1,
        "W2": W2, "b2": b2, "g2": g2, "be2": be2,
        "W3": W3, "b3": b3,
    }


def _batchnorm(h, gamma, beta, eps=1e-5):
    mean = jnp.mean(h, axis=0, keepdims=True)
    var = jnp.var(h, axis=0, keepdims=True)
    return (h - mean) / jnp.sqrt(var + eps) * gamma + beta


def reference(user_input, book_input, user_table, book_table,
              W1, b1, g1, be1, W2, b2, g2, be2, W3, b3):
    u = jnp.take(user_table, user_input, axis=0)
    v = jnp.take(book_table, book_input, axis=0)
    x = jnp.concatenate([u, v], axis=-1)
    h = x @ W1 + b1
    h = _batchnorm(h, g1, be1)
    h = jax.nn.relu(h)
    # dropout is identity (deterministic reference)
    h = h @ W2 + b2
    h = _batchnorm(h, g2, be2)
    h = jax.nn.relu(h)
    out = h @ W3 + b3
    return jnp.squeeze(out, axis=-1)

if __name__ == "__main__":
    import jax
    _d = setup_inputs()
    print(jax.jit(kernel)(*tuple(_d.values())))

</pallas_src>

<mosaic_0001>
#map = affine_map<(d0, d1) -> (0)>
#map1 = affine_map<(d0, d1) -> (0, 0)>
module attributes {stable_mosaic.version = 14 : i64} {
  func.func @_gather_body(%arg0: i32, %arg1: i32, %arg2: memref<16384xi32, #tpu.memory_space<hbm>>, %arg3: memref<16x128xi32, #tpu.memory_space<hbm>>, %arg4: memref<1000000x64xf32, #tpu.memory_space<hbm>>, %arg5: memref<16384x64xf32, #tpu.memory_space<hbm>>, %arg6: memref<512xi32, #tpu.memory_space<vmem>>, %arg7: memref<16x128xi32, #tpu.memory_space<vmem>>, %arg8: memref<512x64xf32, #tpu.memory_space<vmem>>, %arg9: memref<!tpu.dma_semaphore, #tpu.memory_space<semaphore_mem>>) attributes {dimension_semantics = [#tpu.dimension_semantics<core_parallel>, #tpu.dimension_semantics<subcore_parallel>], iteration_bounds = array<i64: 2, 16>, scalar_prefetch = 0 : i64, scratch_operands = 4 : i64, tpu.core_type = #tpu.core_type<sc_vector_subcore>, window_params = [{transform_indices = #map}, {transform_indices = #map1}, {transform_indices = #map1}, {transform_indices = #map1}]} {
    %mul3A = arith.constant 2 : i32
    %mul3A_0 = arith.muli %arg1, %mul3A : i32
    %add3A = arith.addi %mul3A_0, %arg0 : i32
    %mul3A_1 = arith.constant 512 : i32
    %mul3A_2 = arith.muli %add3A, %mul3A_1 : i32
    "tpu.region"() ({
      %run_scoped3A = tpu.sem_alloc : memref<!tpu.dma_semaphore, #tpu.memory_space<semaphore_mem>>
      %dma_start3A = tpu.memref_slice %arg2[%mul3A_2] : memref<16384xi32, #tpu.memory_space<hbm>> -> memref<512xi32, #tpu.memory_space<hbm>>
      %dma_start3A_16 = tpu.memref_slice %arg2[%mul3A_2] : memref<16384xi32, #tpu.memory_space<hbm>> -> memref<512xi32, #tpu.memory_space<hbm>>
      tpu.enqueue_dma source(%dma_start3A_16 : memref<512xi32, #tpu.memory_space<hbm>>) target(%arg6 : memref<512xi32, #tpu.memory_space<vmem>>) target_semaphore(%run_scoped3A : memref<!tpu.dma_semaphore, #tpu.memory_space<semaphore_mem>>)
      %dma_wait3A = tpu.memref_slice %arg2[%mul3A_2] : memref<16384xi32, #tpu.memory_space<hbm>> -> memref<512xi32, #tpu.memory_space<hbm>>
      %dma_wait3A_17 = tpu.memref_slice %arg2[%mul3A_2] : memref<16384xi32, #tpu.memory_space<hbm>> -> memref<512xi32, #tpu.memory_space<hbm>>
      tpu.wait_dma2 semaphore(%run_scoped3A : memref<!tpu.dma_semaphore, #tpu.memory_space<semaphore_mem>>) src(%dma_wait3A_17 : memref<512xi32, #tpu.memory_space<hbm>>) dst(%arg6 : memref<512xi32, #tpu.memory_space<vmem>>)
      tpu.yield
    }) : () -> ()
    "tpu.region"() ({
      %run_scoped3A = tpu.sem_alloc : memref<!tpu.dma_semaphore, #tpu.memory_space<semaphore_mem>>
      tpu.enqueue_dma source(%arg3 : memref<16x128xi32, #tpu.memory_space<hbm>>) target(%arg7 : memref<16x128xi32, #tpu.memory_space<vmem>>) target_semaphore(%run_scoped3A : memref<!tpu.dma_semaphore, #tpu.memory_space<semaphore_mem>>)
      tpu.wait_dma2 semaphore(%run_scoped3A : memref<!tpu.dma_semaphore, #tpu.memory_space<semaphore_mem>>) src(%arg3 : memref<16x128xi32, #tpu.memory_space<hbm>>) dst(%arg7 : memref<16x128xi32, #tpu.memory_space<vmem>>)
      tpu.yield
    }) : () -> ()
    %scan3A = arith.constant 0 : i32
    %scan3A_3 = arith.constant 0 : i32
    %scan3A_4 = arith.constant 512 : i32
    %scan3A_5 = arith.addi %scan3A_3, %scan3A_4 : i32
    %scan3A_6 = arith.constant 1 : i32
    %scan3A_7 = scf.for %scan3A_16 = %scan3A_3 to %scan3A_5 step %scan3A_6 iter_args(%scan3A_17 = %scan3A) -> (i32)  : i32 {
      %jit3A = arith.constant 16 : i32
      %div3A = arith.divsi %scan3A_16, %jit3A : i32
      %sign3A = arith.constant 0 : i32
      %sign3A_18 = arith.cmpi sgt, %scan3A_16, %sign3A : i32
      %sign3A_19 = arith.extui %sign3A_18 : i1 to i32
      %sign3A_20 = arith.constant 0 : i32
      %sign3A_21 = arith.cmpi slt, %scan3A_16, %sign3A_20 : i32
      %sign3A_22 = arith.extui %sign3A_21 : i1 to i32
      %sign3A_23 = arith.subi %sign3A_19, %sign3A_22 : i32
      %sign3A_24 = arith.constant 0 : i32
      %sign3A_25 = arith.cmpi sgt, %jit3A, %sign3A_24 : i32
      %sign3A_26 = arith.extui %sign3A_25 : i1 to i32
      %sign3A_27 = arith.constant 0 : i32
      %sign3A_28 = arith.cmpi slt, %jit3A, %sign3A_27 : i32
      %sign3A_29 = arith.extui %sign3A_28 : i1 to i32
      %sign3A_30 = arith.subi %sign3A_26, %sign3A_29 : i32
      %ne3A = arith.cmpi ne, %sign3A_23, %sign3A_30 : i32
      %rem3A = arith.remsi %scan3A_16, %jit3A : i32
      %ne3A_31 = arith.constant 0 : i32
      %ne3A_32 = arith.cmpi ne, %rem3A, %ne3A_31 : i32
      %and3A = arith.andi %ne3A, %ne3A_32 : i1
      %sub3A = arith.constant 1 : i32
      %sub3A_33 = arith.subi %div3A, %sub3A : i32
      %select_n3A = arith.select %and3A, %sub3A_33, %div3A : i32
      %mul3A_34 = arith.constant 16 : i32
      %mul3A_35 = arith.muli %select_n3A, %mul3A_34 : i32
      %multiple_of3A = tpu.assume_multiple %mul3A_35, 16 : i32
      %get3A = arith.index_cast %multiple_of3A : i32 to index
      %get3A_36 = tpu.vector_load %arg6[%get3A] {strides = array<i32>} : memref<512xi32, #tpu.memory_space<vmem>>, vector<16xi32>,
      %jit3A_37 = arith.constant 16 : i32
      %eq3A = arith.constant 0 : i32
      %eq3A_38 = arith.cmpi eq, %jit3A_37, %eq3A : i32
      %jit3A_39 = arith.constant 1 : i32
      %select_n3A_40 = arith.select %eq3A_38, %jit3A_39, %jit3A_37 : i32
      %rem3A_41 = arith.remsi %scan3A_16, %select_n3A_40 : i32
      %ne3A_42 = arith.constant 0 : i32
      %ne3A_43 = arith.cmpi ne, %rem3A_41, %ne3A_42 : i32
      %lt3A = arith.constant 0 : i32
      %lt3A_44 = arith.cmpi slt, %rem3A_41, %lt3A : i32
      %lt3A_45 = arith.constant 0 : i32
      %lt3A_46 = arith.cmpi slt, %select_n3A_40, %lt3A_45 : i32
      %ne3A_47 = arith.xori %lt3A_44, %lt3A_46 : i1
      %and3A_48 = arith.andi %ne3A_47, %ne3A_43 : i1
      %add3A_49 = arith.addi %rem3A_41, %select_n3A_40 : i32
      %select_n3A_50 = arith.select %and3A_48, %add3A_49, %rem3A_41 : i32
      %get3A_51 = arith.index_cast %select_n3A_50 : i32 to index
      %get3A_52 = arith.constant 0 : index
      %get3A_53 = tpu.vector_load %arg7[%get3A_51, %get3A_52] {strides = array<i32>} : memref<16x128xi32, #tpu.memory_space<vmem>>, vector<16xi32>,
      %mul3A_54 = arith.muli %get3A_36, %get3A_53 : vector<16xi32>
      %reduce_max3A = arith.constant true
      %reduce_max3A_55 = vector.broadcast %reduce_max3A : i1 to vector<16xi1>
      %reduce_max3A_56 = arith.constant -2147483648 : i32
      %reduce_max3A_57 = vector.broadcast %reduce_max3A_56 : i32 to vector<16xi32>
      %reduce_max3A_58 = arith.xori %mul3A_54, %reduce_max3A_57 : vector<16xi32>
      %reduce_max3A_59 = tpu.scan <max>, %reduce_max3A_58 masked %reduce_max3A_55 : vector<16xi32>, vector<16xi1> -> vector<16xi32>
      %reduce_max3A_60 = arith.xori %reduce_max3A_59, %reduce_max3A_57 : vector<16xi32>
      %reduce_max3A_61 = vector.extract %reduce_max3A_60[15] : i32 from vector<16xi32>
      %dma_start3A = arith.constant 0 : i32
      %dma_start3A_62 = tpu.memref_slice %arg8[%scan3A_16, %dma_start3A] : memref<512x64xf32, #tpu.memory_space<vmem>> -> memref<1x64xf32, #tpu.memory_space<vmem>>
      %dma_start3A_63 = arith.constant 0 : i32
      %dma_start3A_64 = tpu.memref_slice %arg4[%reduce_max3A_61, %dma_start3A_63] : memref<1000000x64xf32, #tpu.memory_space<hbm>> -> memref<1x64xf32, #tpu.memory_space<hbm>>
      %dma_start3A_65 = arith.constant 0 : i32
      %dma_start3A_66 = tpu.memref_slice %arg8[%scan3A_16, %dma_start3A_65] : memref<512x64xf32, #tpu.memory_space<vmem>> -> memref<1x64xf32, #tpu.memory_space<vmem>>
      %dma_start3A_67 = arith.constant 0 : i32
      %dma_start3A_68 = tpu.memref_slice %arg4[%reduce_max3A_61, %dma_start3A_67] : memref<1000000x64xf32, #tpu.memory_space<hbm>> -> memref<1x64xf32, #tpu.memory_space<hbm>>
      tpu.enqueue_dma source(%dma_start3A_68 : memref<1x64xf32, #tpu.memory_space<hbm>>) target(%dma_start3A_66 : memref<1x64xf32, #tpu.memory_space<vmem>>) target_semaphore(%arg9 : memref<!tpu.dma_semaphore, #tpu.memory_space<semaphore_mem>>)
      %scan3A_69 = arith.constant 0 : i32
      scf.yield %scan3A_69 : i32
    }
    %scan3A_8 = arith.constant 512 : i32
    %scan3A_9 = arith.constant 0 : i32
    %scan3A_10 = arith.constant 0 : i32
    %scan3A_11 = arith.constant 512 : i32
    %scan3A_12 = arith.addi %scan3A_10, %scan3A_11 : i32
    %scan3A_13 = arith.constant 1 : i32
    %scan3A_14 = scf.for %scan3A_16 = %scan3A_10 to %scan3A_12 step %scan3A_13 iter_args(%scan3A_17 = %scan3A_9) -> (i32)  : i32 {
      %dma_wait3A = arith.constant 0 : i32
      %dma_wait3A_18 = tpu.memref_slice %arg8[%scan3A_16, %dma_wait3A] : memref<512x64xf32, #tpu.memory_space<vmem>> -> memref<1x64xf32, #tpu.memory_space<vmem>>
      %dma_wait3A_19 = arith.constant 0 : i32
      %dma_wait3A_20 = arith.constant 0 : i32
      %dma_wait3A_21 = tpu.memref_slice %arg4[%dma_wait3A_19, %dma_wait3A_20] : memref<1000000x64xf32, #tpu.memory_space<hbm>> -> memref<1x64xf32, #tpu.memory_space<hbm>>
      %dma_wait3A_22 = arith.constant 0 : i32
      %dma_wait3A_23 = tpu.memref_slice %arg8[%scan3A_16, %dma_wait3A_22] : memref<512x64xf32, #tpu.memory_space<vmem>> -> memref<1x64xf32, #tpu.memory_space<vmem>>
      %dma_wait3A_24 = arith.constant 0 : i32
      %dma_wait3A_25 = arith.constant 0 : i32
      %dma_wait3A_26 = tpu.memref_slice %arg4[%dma_wait3A_24, %dma_wait3A_25] : memref<1000000x64xf32, #tpu.memory_space<hbm>> -> memref<1x64xf32, #tpu.memory_space<hbm>>
      tpu.wait_dma2 semaphore(%arg9 : memref<!tpu.dma_semaphore, #tpu.memory_space<semaphore_mem>>) src(%dma_wait3A_26 : memref<1x64xf32, #tpu.memory_space<hbm>>) dst(%dma_wait3A_23 : memref<1x64xf32, #tpu.memory_space<vmem>>)
      %scan3A_27 = arith.constant 0 : i32
      scf.yield %scan3A_27 : i32
    }
    %scan3A_15 = arith.constant 512 : i32
    "tpu.region"() ({
      %run_scoped3A = tpu.sem_alloc : memref<!tpu.dma_semaphore, #tpu.memory_space<semaphore_mem>>
      %dma_start3A = arith.constant 0 : i32
      %dma_start3A_16 = tpu.memref_slice %arg5[%mul3A_2, %dma_start3A] : memref<16384x64xf32, #tpu.memory_space<hbm>> -> memref<512x64xf32, #tpu.memory_space<hbm>>
      %dma_start3A_17 = arith.constant 0 : i32
      %dma_start3A_18 = tpu.memref_slice %arg5[%mul3A_2, %dma_start3A_17] : memref<16384x64xf32, #tpu.memory_space<hbm>> -> memref<512x64xf32, #tpu.memory_space<hbm>>
      tpu.enqueue_dma source(%arg8 : memref<512x64xf32, #tpu.memory_space<vmem>>) target(%dma_start3A_18 : memref<512x64xf32, #tpu.memory_space<hbm>>) target_semaphore(%run_scoped3A : memref<!tpu.dma_semaphore, #tpu.memory_space<semaphore_mem>>)
      %dma_wait3A = arith.constant 0 : i32
      %dma_wait3A_19 = tpu.memref_slice %arg5[%mul3A_2, %dma_wait3A] : memref<16384x64xf32, #tpu.memory_space<hbm>> -> memref<512x64xf32, #tpu.memory_space<hbm>>
      %dma_wait3A_20 = arith.constant 0 : i32
      %dma_wait3A_21 = tpu.memref_slice %arg5[%mul3A_2, %dma_wait3A_20] : memref<16384x64xf32, #tpu.memory_space<hbm>> -> memref<512x64xf32, #tpu.memory_space<hbm>>
      tpu.wait_dma2 semaphore(%run_scoped3A : memref<!tpu.dma_semaphore, #tpu.memory_space<semaphore_mem>>) src(%arg8 : memref<512x64xf32, #tpu.memory_space<vmem>>) dst(%dma_wait3A_21 : memref<512x64xf32, #tpu.memory_space<hbm>>)
      tpu.yield
    }) : () -> ()
    return
  }
}

#map = affine_map<(d0, d1) -> (0)>
#map1 = affine_map<(d0, d1) -> (0, 0)>
module attributes {stable_mosaic.version = 14 : i64} {
  func.func @_gather_body(%arg0: i32, %arg1: i32, %arg2: memref<16384xi32, #tpu.memory_space<hbm>>, %arg3: memref<16x128xi32, #tpu.memory_space<hbm>>, %arg4: memref<100000x64xf32, #tpu.memory_space<hbm>>, %arg5: memref<16384x64xf32, #tpu.memory_space<hbm>>, %arg6: memref<512xi32, #tpu.memory_space<vmem>>, %arg7: memref<16x128xi32, #tpu.memory_space<vmem>>, %arg8: memref<512x64xf32, #tpu.memory_space<vmem>>, %arg9: memref<!tpu.dma_semaphore, #tpu.memory_space<semaphore_mem>>) attributes {dimension_semantics = [#tpu.dimension_semantics<core_parallel>, #tpu.dimension_semantics<subcore_parallel>], iteration_bounds = array<i64: 2, 16>, scalar_prefetch = 0 : i64, scratch_operands = 4 : i64, tpu.core_type = #tpu.core_type<sc_vector_subcore>, window_params = [{transform_indices = #map}, {transform_indices = #map1}, {transform_indices = #map1}, {transform_indices = #map1}]} {
    %mul3A = arith.constant 2 : i32
    %mul3A_0 = arith.muli %arg1, %mul3A : i32
    %add3A = arith.addi %mul3A_0, %arg0 : i32
    %mul3A_1 = arith.constant 512 : i32
    %mul3A_2 = arith.muli %add3A, %mul3A_1 : i32
    "tpu.region"() ({
      %run_scoped3A = tpu.sem_alloc : memref<!tpu.dma_semaphore, #tpu.memory_space<semaphore_mem>>
      %dma_start3A = tpu.memref_slice %arg2[%mul3A_2] : memref<16384xi32, #tpu.memory_space<hbm>> -> memref<512xi32, #tpu.memory_space<hbm>>
      %dma_start3A_16 = tpu.memref_slice %arg2[%mul3A_2] : memref<16384xi32, #tpu.memory_space<hbm>> -> memref<512xi32, #tpu.memory_space<hbm>>
      tpu.enqueue_dma source(%dma_start3A_16 : memref<512xi32, #tpu.memory_space<hbm>>) target(%arg6 : memref<512xi32, #tpu.memory_space<vmem>>) target_semaphore(%run_scoped3A : memref<!tpu.dma_semaphore, #tpu.memory_space<semaphore_mem>>)
      %dma_wait3A = tpu.memref_slice %arg2[%mul3A_2] : memref<16384xi32, #tpu.memory_space<hbm>> -> memref<512xi32, #tpu.memory_space<hbm>>
      %dma_wait3A_17 = tpu.memref_slice %arg2[%mul3A_2] : memref<16384xi32, #tpu.memory_space<hbm>> -> memref<512xi32, #tpu.memory_space<hbm>>
      tpu.wait_dma2 semaphore(%run_scoped3A : memref<!tpu.dma_semaphore, #tpu.memory_space<semaphore_mem>>) src(%dma_wait3A_17 : memref<512xi32, #tpu.memory_space<hbm>>) dst(%arg6 : memref<512xi32, #tpu.memory_space<vmem>>)
      tpu.yield
    }) : () -> ()
    "tpu.region"() ({
      %run_scoped3A = tpu.sem_alloc : memref<!tpu.dma_semaphore, #tpu.memory_space<semaphore_mem>>
      tpu.enqueue_dma source(%arg3 : memref<16x128xi32, #tpu.memory_space<hbm>>) target(%arg7 : memref<16x128xi32, #tpu.memory_space<vmem>>) target_semaphore(%run_scoped3A : memref<!tpu.dma_semaphore, #tpu.memory_space<semaphore_mem>>)
      tpu.wait_dma2 semaphore(%run_scoped3A : memref<!tpu.dma_semaphore, #tpu.memory_space<semaphore_mem>>) src(%arg3 : memref<16x128xi32, #tpu.memory_space<hbm>>) dst(%arg7 : memref<16x128xi32, #tpu.memory_space<vmem>>)
      tpu.yield
    }) : () -> ()
    %scan3A = arith.constant 0 : i32
    %scan3A_3 = arith.constant 0 : i32
    %scan3A_4 = arith.constant 512 : i32
    %scan3A_5 = arith.addi %scan3A_3, %scan3A_4 : i32
    %scan3A_6 = arith.constant 1 : i32
    %scan3A_7 = scf.for %scan3A_16 = %scan3A_3 to %scan3A_5 step %scan3A_6 iter_args(%scan3A_17 = %scan3A) -> (i32)  : i32 {
      %jit3A = arith.constant 16 : i32
      %div3A = arith.divsi %scan3A_16, %jit3A : i32
      %sign3A = arith.constant 0 : i32
      %sign3A_18 = arith.cmpi sgt, %scan3A_16, %sign3A : i32
      %sign3A_19 = arith.extui %sign3A_18 : i1 to i32
      %sign3A_20 = arith.constant 0 : i32
      %sign3A_21 = arith.cmpi slt, %scan3A_16, %sign3A_20 : i32
      %sign3A_22 = arith.extui %sign3A_21 : i1 to i32
      %sign3A_23 = arith.subi %sign3A_19, %sign3A_22 : i32
      %sign3A_24 = arith.constant 0 : i32
      %sign3A_25 = arith.cmpi sgt, %jit3A, %sign3A_24 : i32
      %sign3A_26 = arith.extui %sign3A_25 : i1 to i32
      %sign3A_27 = arith.constant 0 : i32
      %sign3A_28 = arith.cmpi slt, %jit3A, %sign3A_27 : i32
      %sign3A_29 = arith.extui %sign3A_28 : i1 to i32
      %sign3A_30 = arith.subi %sign3A_26, %sign3A_29 : i32
      %ne3A = arith.cmpi ne, %sign3A_23, %sign3A_30 : i32
      %rem3A = arith.remsi %scan3A_16, %jit3A : i32
      %ne3A_31 = arith.constant 0 : i32
      %ne3A_32 = arith.cmpi ne, %rem3A, %ne3A_31 : i32
      %and3A = arith.andi %ne3A, %ne3A_32 : i1
      %sub3A = arith.constant 1 : i32
      %sub3A_33 = arith.subi %div3A, %sub3A : i32
      %select_n3A = arith.select %and3A, %sub3A_33, %div3A : i32
      %mul3A_34 = arith.constant 16 : i32
      %mul3A_35 = arith.muli %select_n3A, %mul3A_34 : i32
      %multiple_of3A = tpu.assume_multiple %mul3A_35, 16 : i32
      %get3A = arith.index_cast %multiple_of3A : i32 to index
      %get3A_36 = tpu.vector_load %arg6[%get3A] {strides = array<i32>} : memref<512xi32, #tpu.memory_space<vmem>>, vector<16xi32>,
      %jit3A_37 = arith.constant 16 : i32
      %eq3A = arith.constant 0 : i32
      %eq3A_38 = arith.cmpi eq, %jit3A_37, %eq3A : i32
      %jit3A_39 = arith.constant 1 : i32
      %select_n3A_40 = arith.select %eq3A_38, %jit3A_39, %jit3A_37 : i32
      %rem3A_41 = arith.remsi %scan3A_16, %select_n3A_40 : i32
      %ne3A_42 = arith.constant 0 : i32
      %ne3A_43 = arith.cmpi ne, %rem3A_41, %ne3A_42 : i32
      %lt3A = arith.constant 0 : i32
      %lt3A_44 = arith.cmpi slt, %rem3A_41, %lt3A : i32
      %lt3A_45 = arith.constant 0 : i32
      %lt3A_46 = arith.cmpi slt, %select_n3A_40, %lt3A_45 : i32
      %ne3A_47 = arith.xori %lt3A_44, %lt3A_46 : i1
      %and3A_48 = arith.andi %ne3A_47, %ne3A_43 : i1
      %add3A_49 = arith.addi %rem3A_41, %select_n3A_40 : i32
      %select_n3A_50 = arith.select %and3A_48, %add3A_49, %rem3A_41 : i32
      %get3A_51 = arith.index_cast %select_n3A_50 : i32 to index
      %get3A_52 = arith.constant 0 : index
      %get3A_53 = tpu.vector_load %arg7[%get3A_51, %get3A_52] {strides = array<i32>} : memref<16x128xi32, #tpu.memory_space<vmem>>, vector<16xi32>,
      %mul3A_54 = arith.muli %get3A_36, %get3A_53 : vector<16xi32>
      %reduce_max3A = arith.constant true
      %reduce_max3A_55 = vector.broadcast %reduce_max3A : i1 to vector<16xi1>
      %reduce_max3A_56 = arith.constant -2147483648 : i32
      %reduce_max3A_57 = vector.broadcast %reduce_max3A_56 : i32 to vector<16xi32>
      %reduce_max3A_58 = arith.xori %mul3A_54, %reduce_max3A_57 : vector<16xi32>
      %reduce_max3A_59 = tpu.scan <max>, %reduce_max3A_58 masked %reduce_max3A_55 : vector<16xi32>, vector<16xi1> -> vector<16xi32>
      %reduce_max3A_60 = arith.xori %reduce_max3A_59, %reduce_max3A_57 : vector<16xi32>
      %reduce_max3A_61 = vector.extract %reduce_max3A_60[15] : i32 from vector<16xi32>
      %dma_start3A = arith.constant 0 : i32
      %dma_start3A_62 = tpu.memref_slice %arg8[%scan3A_16, %dma_start3A] : memref<512x64xf32, #tpu.memory_space<vmem>> -> memref<1x64xf32, #tpu.memory_space<vmem>>
      %dma_start3A_63 = arith.constant 0 : i32
      %dma_start3A_64 = tpu.memref_slice %arg4[%reduce_max3A_61, %dma_start3A_63] : memref<100000x64xf32, #tpu.memory_space<hbm>> -> memref<1x64xf32, #tpu.memory_space<hbm>>
      %dma_start3A_65 = arith.constant 0 : i32
      %dma_start3A_66 = tpu.memref_slice %arg8[%scan3A_16, %dma_start3A_65] : memref<512x64xf32, #tpu.memory_space<vmem>> -> memref<1x64xf32, #tpu.memory_space<vmem>>
      %dma_start3A_67 = arith.constant 0 : i32
      %dma_start3A_68 = tpu.memref_slice %arg4[%reduce_max3A_61, %dma_start3A_67] : memref<100000x64xf32, #tpu.memory_space<hbm>> -> memref<1x64xf32, #tpu.memory_space<hbm>>
      tpu.enqueue_dma source(%dma_start3A_68 : memref<1x64xf32, #tpu.memory_space<hbm>>) target(%dma_start3A_66 : memref<1x64xf32, #tpu.memory_space<vmem>>) target_semaphore(%arg9 : memref<!tpu.dma_semaphore, #tpu.memory_space<semaphore_mem>>)
      %scan3A_69 = arith.constant 0 : i32
      scf.yield %scan3A_69 : i32
    }
    %scan3A_8 = arith.constant 512 : i32
    %scan3A_9 = arith.constant 0 : i32
    %scan3A_10 = arith.constant 0 : i32
    %scan3A_11 = arith.constant 512 : i32
    %scan3A_12 = arith.addi %scan3A_10, %scan3A_11 : i32
    %scan3A_13 = arith.constant 1 : i32
    %scan3A_14 = scf.for %scan3A_16 = %scan3A_10 to %scan3A_12 step %scan3A_13 iter_args(%scan3A_17 = %scan3A_9) -> (i32)  : i32 {
      %dma_wait3A = arith.constant 0 : i32
      %dma_wait3A_18 = tpu.memref_slice %arg8[%scan3A_16, %dma_wait3A] : memref<512x64xf32, #tpu.memory_space<vmem>> -> memref<1x64xf32, #tpu.memory_space<vmem>>
      %dma_wait3A_19 = arith.constant 0 : i32
      %dma_wait3A_20 = arith.constant 0 : i32
      %dma_wait3A_21 = tpu.memref_slice %arg4[%dma_wait3A_19, %dma_wait3A_20] : memref<100000x64xf32, #tpu.memory_space<hbm>> -> memref<1x64xf32, #tpu.memory_space<hbm>>
      %dma_wait3A_22 = arith.constant 0 : i32
      %dma_wait3A_23 = tpu.memref_slice %arg8[%scan3A_16, %dma_wait3A_22] : memref<512x64xf32, #tpu.memory_space<vmem>> -> memref<1x64xf32, #tpu.memory_space<vmem>>
      %dma_wait3A_24 = arith.constant 0 : i32
      %dma_wait3A_25 = arith.constant 0 : i32
      %dma_wait3A_26 = tpu.memref_slice %arg4[%dma_wait3A_24, %dma_wait3A_25] : memref<100000x64xf32, #tpu.memory_space<hbm>> -> memref<1x64xf32, #tpu.memory_space<hbm>>
      tpu.wait_dma2 semaphore(%arg9 : memref<!tpu.dma_semaphore, #tpu.memory_space<semaphore_mem>>) src(%dma_wait3A_26 : memref<1x64xf32, #tpu.memory_space<hbm>>) dst(%dma_wait3A_23 : memref<1x64xf32, #tpu.memory_space<vmem>>)
      %scan3A_27 = arith.constant 0 : i32
      scf.yield %scan3A_27 : i32
    }
    %scan3A_15 = arith.constant 512 : i32
    "tpu.region"() ({
      %run_scoped3A = tpu.sem_alloc : memref<!tpu.dma_semaphore, #tpu.memory_space<semaphore_mem>>
      %dma_start3A = arith.constant 0 : i32
      %dma_start3A_16 = tpu.memref_slice %arg5[%mul3A_2, %dma_start3A] : memref<16384x64xf32, #tpu.memory_space<hbm>> -> memref<512x64xf32, #tpu.memory_space<hbm>>
      %dma_start3A_17 = arith.constant 0 : i32
      %dma_start3A_18 = tpu.memref_slice %arg5[%mul3A_2, %dma_start3A_17] : memref<16384x64xf32, #tpu.memory_space<hbm>> -> memref<512x64xf32, #tpu.memory_space<hbm>>
      tpu.enqueue_dma source(%arg8 : memref<512x64xf32, #tpu.memory_space<vmem>>) target(%dma_start3A_18 : memref<512x64xf32, #tpu.memory_space<hbm>>) target_semaphore(%run_scoped3A : memref<!tpu.dma_semaphore, #tpu.memory_space<semaphore_mem>>)
      %dma_wait3A = arith.constant 0 : i32
      %dma_wait3A_19 = tpu.memref_slice %arg5[%mul3A_2, %dma_wait3A] : memref<16384x64xf32, #tpu.memory_space<hbm>> -> memref<512x64xf32, #tpu.memory_space<hbm>>
      %dma_wait3A_20 = arith.constant 0 : i32
      %dma_wait3A_21 = tpu.memref_slice %arg5[%mul3A_2, %dma_wait3A_20] : memref<16384x64xf32, #tpu.memory_space<hbm>> -> memref<512x64xf32, #tpu.memory_space<hbm>>
      tpu.wait_dma2 semaphore(%run_scoped3A : memref<!tpu.dma_semaphore, #tpu.memory_space<semaphore_mem>>) src(%arg8 : memref<512x64xf32, #tpu.memory_space<vmem>>) dst(%dma_wait3A_21 : memref<512x64xf32, #tpu.memory_space<hbm>>)
      tpu.yield
    }) : () -> ()
    return
  }
}

module attributes {stable_mosaic.version = 14 : i64} {
  func.func @_mlp_body(%arg0: memref<16384x64xf32, #tpu.memory_space<vmem>>, %arg1: memref<16384x64xf32, #tpu.memory_space<vmem>>, %arg2: memref<64x64xf32, #tpu.memory_space<vmem>>, %arg3: memref<64x64xf32, #tpu.memory_space<vmem>>, %arg4: memref<1x64xf32, #tpu.memory_space<vmem>>, %arg5: memref<1x64xf32, #tpu.memory_space<vmem>>, %arg6: memref<1x64xf32, #tpu.memory_space<vmem>>, %arg7: memref<64x32xf32, #tpu.memory_space<vmem>>, %arg8: memref<1x32xf32, #tpu.memory_space<vmem>>, %arg9: memref<1x32xf32, #tpu.memory_space<vmem>>, %arg10: memref<1x32xf32, #tpu.memory_space<vmem>>, %arg11: memref<32x1xf32, #tpu.memory_space<vmem>>, %arg12: memref<1x1xf32, #tpu.memory_space<vmem>>, %arg13: memref<16384x1xf32, #tpu.memory_space<vmem>>) attributes {dimension_semantics = [], scalar_prefetch = 0 : i64, scratch_operands = 0 : i64, tpu.core_type = #tpu.core_type<tc>} {
    %get3A = arith.constant 0 : index
    %get3A_0 = arith.constant 0 : index
    %get3A_1 = vector.load %arg0[%get3A, %get3A_0] : memref<16384x64xf32, #tpu.memory_space<vmem>>, vector<16384x64xf32>
    %get3A_2 = arith.constant 0 : index
    %get3A_3 = arith.constant 0 : index
    %get3A_4 = vector.load %arg2[%get3A_2, %get3A_3] : memref<64x64xf32, #tpu.memory_space<vmem>>, vector<64x64xf32>
    %dot_general3A = arith.constant dense<0.000000e+00> : vector<16384x64xf32>
    %dot_general3A_5 = tpu.matmul %get3A_1, %get3A_4, %dot_general3A {dimension_numbers = #tpu.dot_dimension_numbers<[1], [0], [0], [1], [0, 0, 1, 1], [], []>, transpose_lhs_hint = false} : vector<16384x64xf32>, vector<64x64xf32>, vector<16384x64xf32> -> vector<16384x64xf32>
    %get3A_6 = arith.constant 0 : index
    %get3A_7 = arith.constant 0 : index
    %get3A_8 = vector.load %arg1[%get3A_6, %get3A_7] : memref<16384x64xf32, #tpu.memory_space<vmem>>, vector<16384x64xf32>
    %get3A_9 = arith.constant 0 : index
    %get3A_10 = arith.constant 0 : index
    %get3A_11 = vector.load %arg3[%get3A_9, %get3A_10] : memref<64x64xf32, #tpu.memory_space<vmem>>, vector<64x64xf32>
    %dot_general3A_12 = arith.constant dense<0.000000e+00> : vector<16384x64xf32>
    %dot_general3A_13 = tpu.matmul %get3A_8, %get3A_11, %dot_general3A_12 {dimension_numbers = #tpu.dot_dimension_numbers<[1], [0], [0], [1], [0, 0, 1, 1], [], []>, transpose_lhs_hint = false} : vector<16384x64xf32>, vector<64x64xf32>, vector<16384x64xf32> -> vector<16384x64xf32>
    %add3A = arith.addf %dot_general3A_5, %dot_general3A_13 : vector<16384x64xf32>
    %get3A_14 = arith.constant 0 : index
    %get3A_15 = arith.constant 0 : index
    %get3A_16 = vector.load %arg4[%get3A_14, %get3A_15] : memref<1x64xf32, #tpu.memory_space<vmem>>, vector<1x64xf32>
    %add3A_17 = vector.broadcast %get3A_16 : vector<1x64xf32> to vector<16384x64xf32>
    %add3A_18 = arith.addf %add3A, %add3A_17 : vector<16384x64xf32>
    %get3A_19 = arith.constant 0 : index
    %get3A_20 = arith.constant 0 : index
    %get3A_21 = vector.load %arg5[%get3A_19, %get3A_20] : memref<1x64xf32, #tpu.memory_space<vmem>>, vector<1x64xf32>
    %get3A_22 = arith.constant 0 : index
    %get3A_23 = arith.constant 0 : index
    %get3A_24 = vector.load %arg6[%get3A_22, %get3A_23] : memref<1x64xf32, #tpu.memory_space<vmem>>, vector<1x64xf32>
    %reduce_sum3A = arith.constant dense<0.000000e+00> : vector<64xf32>
    %reduce_sum3A_25 = vector.multi_reduction <add>, %add3A_18, %reduce_sum3A [0] : vector<16384x64xf32> to vector<64xf32>
    %broadcast_in_dim3A = vector.shape_cast %reduce_sum3A_25 : vector<64xf32> to vector<1x64xf32>
    %div3A = arith.constant 1.638400e+04 : f32
    %div3A_26 = vector.broadcast %div3A : f32 to vector<1x64xf32>
    %div3A_27 = arith.divf %broadcast_in_dim3A, %div3A_26 : vector<1x64xf32>
    %sub3A = vector.broadcast %div3A_27 : vector<1x64xf32> to vector<16384x64xf32>
    %sub3A_28 = arith.subf %add3A_18, %sub3A : vector<16384x64xf32>
    %mul3A = arith.mulf %sub3A_28, %sub3A_28 : vector<16384x64xf32>
    %reduce_sum3A_29 = arith.constant dense<0.000000e+00> : vector<64xf32>
    %reduce_sum3A_30 = vector.multi_reduction <add>, %mul3A, %reduce_sum3A_29 [0] : vector<16384x64xf32> to vector<64xf32>
    %broadcast_in_dim3A_31 = vector.shape_cast %reduce_sum3A_30 : vector<64xf32> to vector<1x64xf32>
    %div3A_32 = arith.constant 1.638400e+04 : f32
    %div3A_33 = vector.broadcast %div3A_32 : f32 to vector<1x64xf32>
    %div3A_34 = arith.divf %broadcast_in_dim3A_31, %div3A_33 : vector<1x64xf32>
    %add3A_35 = arith.constant 9.99999974E-6 : f32
    %add3A_36 = vector.broadcast %add3A_35 : f32 to vector<1x64xf32>
    %add3A_37 = arith.addf %div3A_34, %add3A_36 : vector<1x64xf32>
    %rsqrt3A = math.rsqrt %add3A_37 : vector<1x64xf32>
    %mul3A_38 = vector.broadcast %rsqrt3A : vector<1x64xf32> to vector<16384x64xf32>
    %mul3A_39 = arith.mulf %sub3A_28, %mul3A_38 : vector<16384x64xf32>
    %mul3A_40 = vector.broadcast %get3A_21 : vector<1x64xf32> to vector<16384x64xf32>
    %mul3A_41 = arith.mulf %mul3A_39, %mul3A_40 : vector<16384x64xf32>
    %add3A_42 = vector.broadcast %get3A_24 : vector<1x64xf32> to vector<16384x64xf32>
    %add3A_43 = arith.addf %mul3A_41, %add3A_42 : vector<16384x64xf32>
    %max3A = arith.constant 0.000000e+00 : f32
    %max3A_44 = vector.broadcast %max3A : f32 to vector<16384x64xf32>
    %max3A_45 = arith.maximumf %add3A_43, %max3A_44 : vector<16384x64xf32>
    %get3A_46 = arith.constant 0 : index
    %get3A_47 = arith.constant 0 : index
    %get3A_48 = vector.load %arg7[%get3A_46, %get3A_47] : memref<64x32xf32, #tpu.memory_space<vmem>>, vector<64x32xf32>
    %dot_general3A_49 = arith.constant dense<0.000000e+00> : vector<16384x32xf32>
    %dot_general3A_50 = tpu.matmul %max3A_45, %get3A_48, %dot_general3A_49 {dimension_numbers = #tpu.dot_dimension_numbers<[1], [0], [0], [1], [0, 0, 1, 1], [], []>, transpose_lhs_hint = false} : vector<16384x64xf32>, vector<64x32xf32>, vector<16384x32xf32> -> vector<16384x32xf32>
    %get3A_51 = arith.constant 0 : index
    %get3A_52 = arith.constant 0 : index
    %get3A_53 = vector.load %arg8[%get3A_51, %get3A_52] : memref<1x32xf32, #tpu.memory_space<vmem>>, vector<1x32xf32>
    %add3A_54 = vector.broadcast %get3A_53 : vector<1x32xf32> to vector<16384x32xf32>
    %add3A_55 = arith.addf %dot_general3A_50, %add3A_54 : vector<16384x32xf32>
    %get3A_56 = arith.constant 0 : index
    %get3A_57 = arith.constant 0 : index
    %get3A_58 = vector.load %arg9[%get3A_56, %get3A_57] : memref<1x32xf32, #tpu.memory_space<vmem>>, vector<1x32xf32>
    %get3A_59 = arith.constant 0 : index
    %get3A_60 = arith.constant 0 : index
    %get3A_61 = vector.load %arg10[%get3A_59, %get3A_60] : memref<1x32xf32, #tpu.memory_space<vmem>>, vector<1x32xf32>
    %reduce_sum3A_62 = arith.constant dense<0.000000e+00> : vector<32xf32>
    %reduce_sum3A_63 = vector.multi_reduction <add>, %add3A_55, %reduce_sum3A_62 [0] : vector<16384x32xf32> to vector<32xf32>
    %broadcast_in_dim3A_64 = vector.shape_cast %reduce_sum3A_63 : vector<32xf32> to vector<1x32xf32>
    %div3A_65 = arith.constant 1.638400e+04 : f32
    %div3A_66 = vector.broadcast %div3A_65 : f32 to vector<1x32xf32>
    %div3A_67 = arith.divf %broadcast_in_dim3A_64, %div3A_66 : vector<1x32xf32>
    %sub3A_68 = vector.broadcast %div3A_67 : vector<1x32xf32> to vector<16384x32xf32>
    %sub3A_69 = arith.subf %add3A_55, %sub3A_68 : vector<16384x32xf32>
    %mul3A_70 = arith.mulf %sub3A_69, %sub3A_69 : vector<16384x32xf32>
    %reduce_sum3A_71 = arith.constant dense<0.000000e+00> : vector<32xf32>
    %reduce_sum3A_72 = vector.multi_reduction <add>, %mul3A_70, %reduce_sum3A_71 [0] : vector<16384x32xf32> to vector<32xf32>
    %broadcast_in_dim3A_73 = vector.shape_cast %reduce_sum3A_72 : vector<32xf32> to vector<1x32xf32>
    %div3A_74 = arith.constant 1.638400e+04 : f32
    %div3A_75 = vector.broadcast %div3A_74 : f32 to vector<1x32xf32>
    %div3A_76 = arith.divf %broadcast_in_dim3A_73, %div3A_75 : vector<1x32xf32>
    %add3A_77 = arith.constant 9.99999974E-6 : f32
    %add3A_78 = vector.broadcast %add3A_77 : f32 to vector<1x32xf32>
    %add3A_79 = arith.addf %div3A_76, %add3A_78 : vector<1x32xf32>
    %rsqrt3A_80 = math.rsqrt %add3A_79 : vector<1x32xf32>
    %mul3A_81 = vector.broadcast %rsqrt3A_80 : vector<1x32xf32> to vector<16384x32xf32>
    %mul3A_82 = arith.mulf %sub3A_69, %mul3A_81 : vector<16384x32xf32>
    %mul3A_83 = vector.broadcast %get3A_58 : vector<1x32xf32> to vector<16384x32xf32>
    %mul3A_84 = arith.mulf %mul3A_82, %mul3A_83 : vector<16384x32xf32>
    %add3A_85 = vector.broadcast %get3A_61 : vector<1x32xf32> to vector<16384x32xf32>
    %add3A_86 = arith.addf %mul3A_84, %add3A_85 : vector<16384x32xf32>
    %max3A_87 = arith.constant 0.000000e+00 : f32
    %max3A_88 = vector.broadcast %max3A_87 : f32 to vector<16384x32xf32>
    %max3A_89 = arith.maximumf %add3A_86, %max3A_88 : vector<16384x32xf32>
    %get3A_90 = arith.constant 0 : index
    %get3A_91 = arith.constant 0 : index
    %get3A_92 = vector.load %arg11[%get3A_90, %get3A_91] : memref<32x1xf32, #tpu.memory_space<vmem>>, vector<32x1xf32>
    %dot_general3A_93 = arith.constant dense<0.000000e+00> : vector<16384x1xf32>
    %dot_general3A_94 = tpu.matmul %max3A_89, %get3A_92, %dot_general3A_93 {dimension_numbers = #tpu.dot_dimension_numbers<[1], [0], [0], [1], [0, 0, 1, 1], [], []>, transpose_lhs_hint = false} : vector<16384x32xf32>, vector<32x1xf32>, vector<16384x1xf32> -> vector<16384x1xf32>
    %get3A_95 = arith.constant 0 : index
    %get3A_96 = arith.constant 0 : index
    %get3A_97 = vector.load %arg12[%get3A_95, %get3A_96] : memref<1x1xf32, #tpu.memory_space<vmem>>, vector<1x1xf32>
    %add3A_98 = vector.broadcast %get3A_97 : vector<1x1xf32> to vector<16384x1xf32>
    %add3A_99 = arith.addf %dot_general3A_94, %add3A_98 : vector<16384x1xf32>
    %swap3A = arith.constant 0 : index
    %swap3A_100 = arith.constant 0 : index
    %swap3A_101 = vector.load %arg13[%swap3A, %swap3A_100] : memref<16384x1xf32, #tpu.memory_space<vmem>>, vector<16384x1xf32>
    tpu.vector_store %arg13[%swap3A, %swap3A_100], %add3A_99 {strides = array<i32>} : memref<16384x1xf32, #tpu.memory_space<vmem>>, vector<16384x1xf32>,
    return
  }
}

</mosaic_0001>

<sc_bundles>
// kernel: kernel.5.cloned.1.call-start
scs
__scs_entry_jumppad:
0x0: {  	(pc) =	sbr.rel $0x88, $3  }
0x1: {  	(tag) =	ssettag $0x0;
	lr =	simm.s32 $0x1  }
0x2: {  	[smem:$0x3F93] =	sst lr;
	_ =	strace $0xD0000000  }
0x3: {  	_ = 	snop  }
0x4: {  	_ = 	snop  }
0x5: {  	_ = 	snop  }
0x6: {  	_ = 	snop  }
0x7: {  	_ = 	snop  }
__scs_overlays_trampoline_lowered:
0x8: {  	[smem:$0x3FA2] =	sst s0  }
0x9: {  	[smem:$0x3FA3] =	sst s1  }
0xa: {  	[smem:$0x3FA4] =	sst s2  }
0xb: {  	[smem:$0x3FA5] =	sst s3  }
0xc: {  	[smem:$0x3FA6] =	sst s4  }
0xd: {  	[smem:$0x3FA7] =	sst s5  }
0xe: {  	[smem:$0x3FA8] =	sst s6  }
0xf: {  	[smem:$0x3FA9] =	sst s7  }
0x10: {  	[smem:$0x3FAA] =	sst s8  }
0x11: {  	[smem:$0x3FAB] =	sst s9;
	s0 =	simm.s32 @!p0 $0x0  }
0x12: {  	s1 =	sld [smem:$0x3F91];
	s0 =	simm.s32 @p0 $0x1  }
0x13: {  	[smem:$0x3FAC] =	sst s0;
	s0 =	simm.s32 @!p1 $0x0  }
0x14: {  	s2 =	sld [smem:$0x3F90];
	s0 =	simm.s32 @p1 $0x1  }
0x15: {  	[smem:$0x3FAD] =	sst s0;
	s0 =	simm.s32 @!p2 $0x0  }
0x16: {  	s3 =	sld [smem:$0x3FDB];
	s0 =	simm.s32 @p2 $0x1  }
0x17: {  	s4 =	simm.s32 $0x1BF5;
	[smem:$0x3FAF] =	sst s0  }
0x18: {  	s0 =	sld [smem:$0x3F92];
	_ =	swait.ge [sflag:s4], $0x0  }
0x19: {  	s7 =	sld [smem:$0x3F93]  }
0x1a: {  	s8 =	sadd.s32 $0xFFFFE003, lr  }
0x1b: {  	s9 =	sadd.s32 $0xFFFFFEF7, lr;
	s5 =	simm.s32 $0xFFFFFFFF;
	p2 =	slt.u32 s8, $0xFFFFF086  }
0x1c: {  	p1 =	slt.u32 s9, $0xF7A;
	s5 =	simm.s32 @!p2 $0x0  }
0x1d: {  	s5 =	simm.s32 @p1 $0x1;
	p0 =	seq.s32 s7, s2  }
0x1e: {  	s7 =	smul.u32 @!p0 $0xF7A, s2;
	p2 =	seq.s32 @!p0 s5, $0x0  }
0x1f: {  	s9 =	smul.u32 $0xF7A, s1;
	s8 =	simm.s32 @!p0 $0x1BF5;
	p2 =	por !p2, p0  }
0x20: {  	[sflag:s8] =	ssyncset.s32 @!p0 $0xFFFFF086;
	s6 =	sadd.s32 @!p0 s3, s7;
	s7 =	simm.s32 @!p0 $0x108  }
0x21: {  	s3 =	sadd.s32 s3, s9;
	s6 =	sadd.s32 @!p0 $0x88, s6;
	s7 =	simm.s32 @p2 $0x1082  }
0x22: {  	[simem:s7], [sflag:s8] =	dma.local @!p0 [hbm:s6], $0xF7A  }
0x23: {  	s9 =	sor.u32 $0xD0000000, s2;
	s6 =	simm.s32 $0x108;
	_ =	swait.ge @!p0 [sflag:s8], $0x0  }
0x24: {  	s3 =	sadd.s32 $0x88, s3;
	s6 =	simm.s32 @!p1 $0x1082;
	[sflag:s4] =	ssyncset.s32 $0xFFFFF086  }
0x25: {  	[simem:s6], [sflag:s4] =	dma.local [hbm:s3], $0xF7A  }
0x26: {  	[smem:$0x3F93] =	sst s1;
	(tag) =	ssettag s2;
	_ =	strace s9  }
0x27: {  	s1 =	sld [smem:$0x3FA3]  }
0x28: {  	s2 =	sld [smem:$0x3FA4]  }
0x29: {  	s4 =	sld [smem:$0x3FA6]  }
0x2a: {  	p0 =	seq.s32 s5, $0x0;
	s5 =	sld [smem:$0x3FA7]  }
0x2b: {  	s6 =	sld [smem:$0x3FA8]  }
0x2c: {  	s7 =	sld [smem:$0x3FA9]  }
0x2d: {  	s3 =	simm.s32 $0x108;
	s8 =	sld [smem:$0x3FAA]  }
0x2e: {  	s3 =	simm.s32 @!p0 $0x1082;
	s9 =	sld [smem:$0x3FAB]  }
0x2f: {  	lr =	sadd.s32 s0, s3;
	s0 =	sld [smem:$0x3FA2]  }
0x30: {  	s3 =	sld [smem:$0x3FA5]  }
0x31: {  	[smem:$0x3FAE] =	sst s10  }
0x32: {  	s10 =	sld [smem:$0x3FAC];
	_ =	sdelay $0x3  }
0x33: {  	p0 =	seq.s32 s10, $0x1;
	s10 =	sld [smem:$0x3FAE];
	_ =	sdelay $0x3  }
0x34: {  	[smem:$0x3FAE] =	sst s10  }
0x35: {  	s10 =	sld [smem:$0x3FAD];
	_ =	sdelay $0x3  }
0x36: {  	p1 =	seq.s32 s10, $0x1;
	s10 =	sld [smem:$0x3FAE];
	_ =	sdelay $0x3  }
0x37: {  	[smem:$0x3FAE] =	sst s10  }
0x38: {  	s10 =	sld [smem:$0x3FAF]  }
0x39: {  	_ = 	snop;
	(pc) =	sbr.ind lr, $3  }
0x3a: {  	_ = 	snop  }
0x3b: {  	_ = 	snop  }
0x3c: {  	p2 =	seq.s32 s10, $0x1;
	s10 =	sld [smem:$0x3FAE]  }
0x3d: {  	_ =	shalt  }
0x3e: {  	_ =	shalt  }
0x3f: {  	_ =	shalt  }
0x40: {  	_ =	shalt  }
0x41: {  	_ =	shalt  }
0x42: {  	_ =	shalt  }
0x43: {  	_ =	shalt  }
0x44: {  	_ =	shalt  }
0x45: {  	_ =	shalt  }
0x46: {  	_ =	shalt  }
0x47: {  	_ =	shalt  }
0x48: {  	_ =	shalt  }
0x49: {  	_ =	shalt  }
0x4a: {  	_ =	shalt  }
0x4b: {  	_ =	shalt  }
0x4c: {  	_ =	shalt  }
0x4d: {  	_ =	shalt  }
0x4e: {  	_ =	shalt  }
0x4f: {  	_ =	shalt  }
0x50: {  	_ =	shalt  }
0x51: {  	_ =	shalt  }
0x52: {  	_ =	shalt  }
0x53: {  	_ =	shalt  }
0x54: {  	_ =	shalt  }
0x55: {  	_ =	shalt  }
0x56: {  	_ =	shalt  }
0x57: {  	_ =	shalt  }
0x58: {  	_ =	shalt  }
0x59: {  	_ =	shalt  }
0x5a: {  	_ =	shalt  }
0x5b: {  	_ =	shalt  }
0x5c: {  	_ =	shalt  }
0x5d: {  	_ =	shalt  }
0x5e: {  	_ =	shalt  }
0x5f: {  	_ =	shalt  }
0x60: {  	_ =	shalt  }
0x61: {  	_ =	shalt  }
0x62: {  	_ =	shalt  }
0x63: {  	_ =	shalt  }
0x64: {  	_ =	shalt  }
0x65: {  	_ =	shalt  }
0x66: {  	_ =	shalt  }
0x67: {  	_ =	shalt  }
0x68: {  	_ =	shalt  }
0x69: {  	_ =	shalt  }
0x6a: {  	_ =	shalt  }
0x6b: {  	_ =	shalt  }
0x6c: {  	_ =	shalt  }
0x6d: {  	_ =	shalt  }
0x6e: {  	_ =	shalt  }
0x6f: {  	_ =	shalt  }
0x70: {  	_ =	shalt  }
0x71: {  	_ =	shalt  }
0x72: {  	_ =	shalt  }
0x73: {  	_ =	shalt  }
0x74: {  	_ =	shalt  }
0x75: {  	_ =	shalt  }
0x76: {  	_ =	shalt  }
0x77: {  	_ =	shalt  }
0x78: {  	_ =	shalt  }
0x79: {  	_ =	shalt  }
0x7a: {  	_ =	shalt  }
0x7b: {  	_ =	shalt  }
0x7c: {  	_ =	shalt  }
0x7d: {  	_ =	shalt  }
0x7e: {  	_ =	shalt  }
0x7f: {  	_ =	shalt  }
0x80: {  	_ =	shalt  }
0x81: {  	_ =	shalt  }
0x82: {  	_ =	shalt  }
0x83: {  	_ =	shalt  }
0x84: {  	_ =	shalt  }
0x85: {  	_ =	shalt  }
0x86: {  	_ =	shalt  }
0x87: {  	_ =	shalt  }
.Lfunc_end0:
.L_simem_size_0:
called_computation_lowered:
.L_overlay_start_0:
0x88: {  	s2 =	sld [smem:$0x3FD9]  }
0x89: {  	s3 =	sld [smem:$0x3FFE];
	_ =	sdelay $0x1  }
0x8a: {  	s1 =	srdreg.scid  }
0x8b: {  	s0 =	sand.u32 $0x1, s1  }
0x8c: {  	s17 =	sshll.u32 s0, $0xA;
	s2 =	sadd.s32 s3, s2  }
0x8d: {  	s2 =	sadd.s32 s2, s17  }
0x8e: {  	[smem:$0x3FBA] =	sst s2  }
0x8f: {  	_ = 	snop  }
0x90: {  	s18 =	sld [smem:$0x3FC8]  }
0x91: {  	s4 =	sld [smem:$0x3FD0];
	(tm) =	ssettm $0x1  }
0x92: {  	s19 =	sld [smem:$0x3FFB];
	_ =	sdelay $0x3  }
0x93: {  	_ =	strace s19  }
0x94: {  	s2 =	sld [smem:$0x3FFC];
	_ =	sdelay $0x3  }
0x95: {  	_ =	strace s2  }
0x96: {  	s2 =	sld [smem:$0x3FFD];
	_ =	sdelay $0x3  }
0x97: {  	_ =	strace s2  }
0x98: {  	_ =	strace $0x8FFFFFFF  }
0x99: {  	s20 =	sld [smem:$0x3FDB];
	_ =	sdelay $0x1  }
0x9a: {  	s5 =	simm.s32 $_scs_section_size  }
0x9b: {  	s6 =	simm.s32 $_size__tile_overlayer_lowered;
	s7 =	simm.s32 $_tile_overlayer_lowered  }
0x9c: {  	s8 =	simm.s32 $0x1BFF;
	s21 =	sshll.u32 s7, $0x1;
	s5 =	sadd.s32 s5, s20  }
0x9d: {  	s22 =	simm.s32 $0x0;
	s6 =	sshll.u32 s6, $0x1;
	s7 =	sadd.s32 s21, s5  }
0x9e: {  	[timem:s22], [sflag:s8] =	dma.local [hbm:s7], s6  }
0x9f: {  	_ =	swait.ge [sflag:s8], s6  }
0xa0: {  	s6 =	ssub.s32 $0x0, s6;
	[sflag:s8] =	ssyncset.done $0x0  }
0xa1: {  	[sflag:s8] =	ssyncadd.s32 s6;
	_ =	sdelay $0x1  }
0xa2: {  	s23 =	simm.s32 $0x1B8B  }
0xa3: {  	_ =	swait.ge [sflag:s23], $0x1  }
0xa4: {  	[sflag:s23] =	ssyncset.done $0x0  }
0xa5: {  	[sflag:s23] =	ssyncadd.s32 $0xFFFFFFFF  }
0xa6: {  	s6 =	sld [smem:$0x0]  }
0xa7: {  	s7 =	sand.u32 $0xFFFFFFFE, s1  }
0xa8: {  	p0 =	sne.s32 s1, s7  }
0xa9: {  	s7 =	sshll.u32 @p0 s7, $0xE  }
0xaa: {  	s7 =	sadd.s32 @p0 $0x11B8D, s7;
	s8 =	sshll.u32 @p0 s6, $0x11  }
0xab: {  	s7 =	sor.u32 @p0 s8, s7  }
0xac: {  	[sflag:s7] =	ssyncadd.remote.s32 @p0 $0x1;
	_ =	sdelay $0x1  }
0xad: {  	s7 =	simm.s32 @p0 $0x1B8D  }
0xae: {  	_ =	swait.eq @p0 [sflag:s7], $0x1  }
0xaf: {  	[sflag:s7] =	ssyncadd.s32 @p0 $0xFFFFFFFF  }
0xb0: {  	s8 =	sshll.u32 @!p0 s1, $0xE  }
0xb1: {  	s8 =	sor.u32 @!p0 $0x4000, s8;
	s7 =	simm.s32 @!p0 $0x1B8D  }
0xb2: {  	s6 =	sshll.u32 @!p0 s6, $0x11;
	s8 =	sadd.s32 @!p0 $0x11B8D, s8;
	_ =	swait.eq @!p0 [sflag:s7], $0x1  }
0xb3: {  	s6 =	sor.u32 @!p0 s6, s8;
	[sflag:s7] =	ssyncadd.s32 @!p0 $0xFFFFFFFF  }
0xb4: {  	s25 =	simm.s32 $0x1B8E;
	s24 =	sld [smem:$0x3FFE];
	[sflag:s6] =	ssyncadd.remote.s32 @!p0 $0x1  }
0xb5: {  	s26 =	simm.s32 $execute0_lowered;
	[smem:$0x3FD2] =	sst s25  }
0xb6: {  	s7 =	sshll.u32 s26, $0x1;
	_ =	strace $0x80000049;
	[dreg:$0x1] =	wrdreg $0xFFFFFFFF  }
0xb7: {  	s28 =	simm.s32 $_size_execute0_lowered;
	s5 =	sadd.s32 s5, s7;
	[dreg:$0x0] =	wrdreg $0x0  }
0xb8: {  	s7 =	sshll.u32 s28, $0x1;
	[dreg:$0x2] =	wrdreg s5  }
0xb9: {  	[dreg:$0x3] =	wrdreg s7  }
0xba: {  	[dreg:$0x4] =	wrdreg $0xC0  }
0xbb: {  	_ =	task [dreg:s22], $0x5FFFF  }
0xbc: {  	[dreg:$0x1] =	wrdreg $0xFFFFFFFF  }
0xbd: {  	[dreg:$0x0] =	wrdreg $0x60  }
0xbe: {  	[dreg:$0x2] =	wrdreg s18  }
0xbf: {  	[dreg:$0x3] =	wrdreg s4  }
0xc0: {  	[dreg:$0x4] =	wrdreg s24  }
0xc1: {  	[dreg:$0x5] =	wrdreg $0x9  }
0xc2: {  	_ =	task.clear_ibuf [dreg:s22], $0x6FFFF;
	_ =	strace $0x90000049  }
0xc3: {  	s29 =	simm.s32 $0x9;
	_ =	strace $0x8000004B  }
0xc4: {  	_ =	swait.ge [sflag:s29], $0x1  }
0xc5: {  	[sflag:s29] =	ssyncadd.s32 $0xFFFFFFFF  }
0xc6: {  	_ =	strace $0x9000004B  }
0xc7: {  	_ =	sfence  }
0xc8: {  	s30 =	sld [smem:$0x0];
	_ =	sdelay $0x2  }
0xc9: {  	s31 =	sshll.u32 s1, $0xD;
	s1 =	sshrl.u32 s1, $0x2  }
0xca: {  	s4 =	sand.u32 $0x4000, s31;
	s1 =	sadd.s32 s1, s30  }
0xcb: {  	s0 =	sor.u32 s4, s0;
	s1 =	sshll.u32 s1, $0x11  }
0xcc: {  	s0 =	sor.u32 s1, s0  }
0xcd: {  	s0 =	sadd.s32 $0x8F2B, s0  }
0xce: {  	[sflag:s0] =	ssyncadd.remote.s32 $0x1  }
0xcf: {  	_ =	sfence.sel $0xFFFF  }
0xd0: {  	[dreg:$0x0] =	wrdreg $0xFFFFFFFF;
	(pc) =	sbr.abs _section_cstart, $3  }
0xd1: {  	[dreg:$0x1] =	wrdreg $0xFFFFFFFF  }
0xd2: {  	_ =	task.clear_ibuf [dreg:s22], $0x2FFFF;
	_ =	strace $0x9FFFFFFF  }
0xd3: {  	(tm) =	ssettm $0x7FFFFFFF  }
tec
execute0_lowered:
.L_overlay_start_1:
0x0: {  	(tag) =	ssettag $0x1  }
0x1: {  	s5 =	rddreg [dreg:$0x0]  }
0x2: {  	s1 =	rddreg [dreg:$0x1]  }
0x3: {  	s6 =	rddreg [dreg:$0x2]  }
0x4: {  	s0 =	rddreg [dreg:$0x3]  }
0x5: {  	s4 =	srdreg.scid;
	s3 =	simm.s32 $0x0;
	s2 =	stileid.u32  }
0x6: {  	s10 =	simm.s32 $0x1;
	s11 =	simm.s32 $0xA00;
	s12 =	simm.s32 $0x0  }
0x7: {  	s7 =	sand.u32 $0x1, s4;
	[smem:$0x7FF] =	sst s3;
	s30 =	sshll.u32 s2, $0xA  }
0x8: {  	s4 =	sadd.s32 $0x1A8400, s6;
	s8 =	sshll.u32 s7, $0x9;
	s7 =	ssub.s32 $0x2, s7  }
0x9: {  	_ =	strace $0x8000004A;
	s8 =	sor.u32 s8, s30;
	s31 =	sshrl.u32 s7, $0x1  }
0xa: {  	s9 =	sshll.u32 s8, $0x3;
	s8 =	sshrl.u32 s8, $0x3;
	s7 =	ssub.s32 s7, s31  }
0xb: {  	s6 =	sadd.s32 s9, s6;
	s5 =	sadd.s32 s5, s8;
	s7 =	smax.u32 s7, $0x1  }
0xc: {  	s8 =	simm.s32 $0x2;
	s9 =	simm.s32 $0x200;
	s6 =	sadd.s32 $0x21A00, s6  }
.LBB2_1:
0xd: {  	[tilespmem:s3], [sflag:$0x2] =	stream.linear.gather [hbm4b:s5+s3], $0x200, $0x38;
	[tilespmem:$0x8A00] =	vst v63  }
0xe: {  	_ =	swait.ge [sflag:s8], $0x200  }
0xf: {  	[sflag:s8] =	ssyncset.done $0x0  }
0x10: {  	[sflag:s8] =	ssyncadd.s32 $0xFFFFFE00  }
0x11: {  	[tilespmem:s9], [sflag:$0x2] =	stream.linear.gather [hbm4b:s1+s3], $0x800, $0x38;
	[tilespmem:$0x8A00] =	vst v63  }
0x12: {  	_ =	swait.ge [sflag:s8], $0x800  }
0x13: {  	[sflag:s8] =	ssyncset.done $0x0  }
0x14: {  	s13 =	sand.u32 $0x7C0, s3;
	s14 =	sand.u32 $0x780, s3;
	[sflag:s8] =	ssyncadd.s32 $0xFFFFF800  }
0x15: {  	s13 =	sshrl.u32 s13, $0x2;
	v0 =	vld [tilespmem:s14+$0x200]  }
0x16: {  	v1 =	vld [tilespmem:s13+$0x0];
	_ =	sdelay $0x4  }
0x17: {  	v0 =	vmul.u32 v1, v0;
	_ =	sdelay $0x1  }
0x18: {  	v0 =	vxor.u32 $0x80000000, v0  }
0x19: {  	(xrf0) =	vmax.scan.msk.u32 $0xffff, v0;
	_ =	sdelay $0x5  }
0x1a: {  	v0, _, _ =	vpop (xrf0)  }
0x1b: {  	(v2sf) =	vpush v0, $0xF;
	_ =	sdelay $0xe  }
0x1c: {  	s30 =	spop (v2sf)  }
0x1d: {  	s13 =	sshll.u32 s30, $0x3  }
0x1e: {  	s15 =	simm.s32 $0x80;
	s14 =	simm.s32 $0x4;
	s13 =	sand.u32 $0x1FFFFFF8, s13  }
0x1f: {  	s15 =	sand.u32 $0x780, s15;
	s31 =	sand.u32 $0x7C0, s14;
	s13 =	sadd.s32 s4, s13  }
0x20: {  	[tilespmem:s11], [sflag:$0x1] =	stream.linear.gather [hbm4b:s13+s3], $0x40, $0x38;
	[tilespmem:$0x8A00] =	vst v63  }
0x21: {  	s16 =	sshrl.u32 s31, $0x2;
	s13 =	simm.s32 $0xA00;
	v0 =	vld [tilespmem:s15+$0x200];
	s15 =	simm.s32 $0x100  }
.LBB2_2:
0x22: {  	p0 =	sne.s32 s15, $0xFF80;
	v1 =	vld [tilespmem:s16+$0x0];
	_ =	sdelay $0x4  }
0x23: {  	v0 =	vmul.u32 v1, v0;
	_ =	sdelay $0x1  }
0x24: {  	v0 =	vxor.u32 $0x80000000, v0  }
0x25: {  	(xrf0) =	vmax.scan.msk.u32 $0xffff, v0;
	_ =	sdelay $0x5  }
0x26: {  	v0, _, _ =	vpop (xrf0)  }
0x27: {  	(v2sf) =	vpush v0, $0xF;
	_ =	sdelay $0xe  }
0x28: {  	s16 =	spop (v2sf)  }
.Ltmp0:
0x29: {  	s16 =	sshll.u32 s16, $0x3;
	(pc) =	sbr.rel @p0 .LBB2_2-.Ltmp0, $4  }
0x2a: {  	s14 =	sadd.s32 $0x4, s14;
	s13 =	sadd.s32 $0x40, s13;
	s16 =	sand.u32 $0x1FFFFFF8, s16  }
0x2b: {  	s18 =	sand.u32 $0x780, s15;
	s17 =	sand.u32 $0x7C0, s14;
	s16 =	sadd.s32 s4, s16  }
0x2c: {  	[tilespmem:s13], [sflag:$0x1] =	stream.linear.gather [hbm4b:s16+s3], $0x40, $0x38;
	[tilespmem:$0x8A00] =	vst v63  }
0x2d: {  	s15 =	sadd.s32 $0x80, s15;
	s16 =	sshrl.u32 s17, $0x2;
	v0 =	vld [tilespmem:s18+$0x200]  }
0x2e: {  	v1 =	vld [tilespmem:s16+$0x0];
	_ =	sdelay $0x4  }
0x2f: {  	v0 =	vmul.u32 v1, v0;
	_ =	sdelay $0x1  }
0x30: {  	v0 =	vxor.u32 $0x80000000, v0  }
0x31: {  	(xrf0) =	vmax.scan.msk.u32 $0xffff, v0;
	_ =	sdelay $0x5  }
0x32: {  	v0, _, _ =	vpop (xrf0)  }
0x33: {  	(v2sf) =	vpush v0, $0xF;
	_ =	sdelay $0xe  }
0x34: {  	s14 =	spop (v2sf)  }
0x35: {  	s14 =	sshll.u32 s14, $0x3  }
0x36: {  	s14 =	sand.u32 $0x1FFFFFF8, s14  }
0x37: {  	s13 =	sadd.s32 $0x40, s13;
	s14 =	sadd.s32 s4, s14  }
0x38: {  	[tilespmem:s13], [sflag:$0x1] =	stream.linear.gather [hbm4b:s14+s3], $0x40, $0x38;
	[tilespmem:$0x8A00] =	vst v63  }
0x39: {  	_ =	swait.ge [sflag:s10], $0x40  }
0x3a: {  	s13 =	simm.s32 $0x1FF;
	[sflag:s10] =	ssyncset.done $0x0  }
.LBB2_4:
0x3b: {  	p0 =	sne.s32 s13, $0x1;
	s13 =	sadd.s32 $0xFFFFFFFF, s13;
	[sflag:s10] =	ssyncadd.s32 $0xFFFFFFC0  }
.Ltmp1:
0x3c: {  	(pc) =	sbr.rel @p0 .LBB2_4-.Ltmp1, $3  }
0x3d: {  	_ =	sdelay $0x1  }
0x3e: {  	_ =	swait.ge [sflag:s10], $0x40  }
0x3f: {  	[sflag:s10] =	ssyncset.done $0x0  }
0x40: {  	s12 =	sadd.s32 $0x1, s12  }
0x41: {  	p0 =	sne.s32 s12, s7  }
.Ltmp2:
0x42: {  	[sflag:s10] =	ssyncadd.s32 $0xFFFFFFC0;
	(pc) =	sbr.rel @p0 .LBB2_1-.Ltmp2, $4  }
0x43: {  	[hbm4b:s6+s3] =	stream.linear.scatter [tilespmem:s11], [sflag:$0x2], $0x8000, $0x38;
	[tilespmem:$0x8A00] =	vst v63  }
0x44: {  	_ =	swait.ge [sflag:s8], $0x8000  }
0x45: {  	[sflag:s8] =	ssyncset.done $0x0  }
0x46: {  	[sflag:s8] =	ssyncadd.s32 $0xFFFF8000  }
0x47: {  	_ =	sfence.sel $0x180000  }
0x48: {  	[bflag:$0x0] =	sbarrier.arrive $0xFFFF  }
0x49: {  	p0 =	sne.s32 s2, $0x0;
	_ =	strace $0x9000004A  }
0x4a: {  	s0 =	sadd.s32 @!p0 $0x100000, s0;
	[bflag:$0x2] =	sbarrier.arrive $0xFFFF  }
0x4b: {  	[sflag:s0] =	ssyncadd.tile.s32 @!p0 $0x1;
	_ =	shalt  }
.Lfunc_end2:
_tile_overlayer_lowered:
.L_overlay_start_2:
0x4c: {  	(tag) =	ssettag $0x2  }
0x4d: {  	s0 =	rddreg [dreg:$0x0];
	s2 =	stileid.u32  }
0x4e: {  	s1 =	rddreg [dreg:$0x1];
	p0 =	sne.s32 s2, $0x0  }
0x4f: {  	s3 =	rddreg [dreg:$0x2];
	[bflag:$0x3] =	sbarrier.arrive $0xFFFF;
	s2 =	simm.s32 @!p0 $0x1C02  }
0x50: {  	[timem:s3], [sflag:s2] =	dma.local @!p0 [hbm:s0], s1  }
0x51: {  	s0 =	simm.s32 @!p0 $0x2  }
0x52: {  	_ =	swait.ge @!p0 [sflag:s0], s1  }
0x53: {  	s1 =	ssub.s32 @!p0 $0x0, s1;
	[sflag:s0] =	ssyncset.done @!p0 $0x0  }
0x54: {  	[sflag:s0] =	ssyncadd.s32 @!p0 s1  }
0x55: {  	[bflag:$0x3] =	sbarrier.arrive $0xFFFF  }
0x56: {  	_ =	shalt  }

// kernel: kernel.8.cloned.1.call-start
scs
__scs_entry_jumppad:
0x0: {  	(pc) =	sbr.rel $0x88, $3  }
0x1: {  	(tag) =	ssettag $0x0;
	lr =	simm.s32 $0x1  }
0x2: {  	[smem:$0x3F93] =	sst lr;
	_ =	strace $0xD0000000  }
0x3: {  	_ = 	snop  }
0x4: {  	_ = 	snop  }
0x5: {  	_ = 	snop  }
0x6: {  	_ = 	snop  }
0x7: {  	_ = 	snop  }
__scs_overlays_trampoline_lowered:
0x8: {  	[smem:$0x3FA2] =	sst s0  }
0x9: {  	[smem:$0x3FA3] =	sst s1  }
0xa: {  	[smem:$0x3FA4] =	sst s2  }
0xb: {  	[smem:$0x3FA5] =	sst s3  }
0xc: {  	[smem:$0x3FA6] =	sst s4  }
0xd: {  	[smem:$0x3FA7] =	sst s5  }
0xe: {  	[smem:$0x3FA8] =	sst s6  }
0xf: {  	[smem:$0x3FA9] =	sst s7  }
0x10: {  	[smem:$0x3FAA] =	sst s8  }
0x11: {  	[smem:$0x3FAB] =	sst s9;
	s0 =	simm.s32 @!p0 $0x0  }
0x12: {  	s1 =	sld [smem:$0x3F91];
	s0 =	simm.s32 @p0 $0x1  }
0x13: {  	[smem:$0x3FAC] =	sst s0;
	s0 =	simm.s32 @!p1 $0x0  }
0x14: {  	s2 =	sld [smem:$0x3F90];
	s0 =	simm.s32 @p1 $0x1  }
0x15: {  	[smem:$0x3FAD] =	sst s0;
	s0 =	simm.s32 @!p2 $0x0  }
0x16: {  	s3 =	sld [smem:$0x3FDB];
	s0 =	simm.s32 @p2 $0x1  }
0x17: {  	s4 =	simm.s32 $0x1BF5;
	[smem:$0x3FAF] =	sst s0  }
0x18: {  	s0 =	sld [smem:$0x3F92];
	_ =	swait.ge [sflag:s4], $0x0  }
0x19: {  	s7 =	sld [smem:$0x3F93]  }
0x1a: {  	s8 =	sadd.s32 $0xFFFFE003, lr  }
0x1b: {  	s9 =	sadd.s32 $0xFFFFFEF7, lr;
	s5 =	simm.s32 $0xFFFFFFFF;
	p2 =	slt.u32 s8, $0xFFFFF086  }
0x1c: {  	p1 =	slt.u32 s9, $0xF7A;
	s5 =	simm.s32 @!p2 $0x0  }
0x1d: {  	s5 =	simm.s32 @p1 $0x1;
	p0 =	seq.s32 s7, s2  }
0x1e: {  	s7 =	smul.u32 @!p0 $0xF7A, s2;
	p2 =	seq.s32 @!p0 s5, $0x0  }
0x1f: {  	s9 =	smul.u32 $0xF7A, s1;
	s8 =	simm.s32 @!p0 $0x1BF5;
	p2 =	por !p2, p0  }
0x20: {  	[sflag:s8] =	ssyncset.s32 @!p0 $0xFFFFF086;
	s6 =	sadd.s32 @!p0 s3, s7;
	s7 =	simm.s32 @!p0 $0x108  }
0x21: {  	s3 =	sadd.s32 s3, s9;
	s6 =	sadd.s32 @!p0 $0x88, s6;
	s7 =	simm.s32 @p2 $0x1082  }
0x22: {  	[simem:s7], [sflag:s8] =	dma.local @!p0 [hbm:s6], $0xF7A  }
0x23: {  	s9 =	sor.u32 $0xD0000000, s2;
	s6 =	simm.s32 $0x108;
	_ =	swait.ge @!p0 [sflag:s8], $0x0  }
0x24: {  	s3 =	sadd.s32 $0x88, s3;
	s6 =	simm.s32 @!p1 $0x1082;
	[sflag:s4] =	ssyncset.s32 $0xFFFFF086  }
0x25: {  	[simem:s6], [sflag:s4] =	dma.local [hbm:s3], $0xF7A  }
0x26: {  	[smem:$0x3F93] =	sst s1;
	(tag) =	ssettag s2;
	_ =	strace s9  }
0x27: {  	s1 =	sld [smem:$0x3FA3]  }
0x28: {  	s2 =	sld [smem:$0x3FA4]  }
0x29: {  	s4 =	sld [smem:$0x3FA6]  }
0x2a: {  	p0 =	seq.s32 s5, $0x0;
	s5 =	sld [smem:$0x3FA7]  }
0x2b: {  	s6 =	sld [smem:$0x3FA8]  }
0x2c: {  	s7 =	sld [smem:$0x3FA9]  }
0x2d: {  	s3 =	simm.s32 $0x108;
	s8 =	sld [smem:$0x3FAA]  }
0x2e: {  	s3 =	simm.s32 @!p0 $0x1082;
	s9 =	sld [smem:$0x3FAB]  }
0x2f: {  	lr =	sadd.s32 s0, s3;
	s0 =	sld [smem:$0x3FA2]  }
0x30: {  	s3 =	sld [smem:$0x3FA5]  }
0x31: {  	[smem:$0x3FAE] =	sst s10  }
0x32: {  	s10 =	sld [smem:$0x3FAC];
	_ =	sdelay $0x3  }
0x33: {  	p0 =	seq.s32 s10, $0x1;
	s10 =	sld [smem:$0x3FAE];
	_ =	sdelay $0x3  }
0x34: {  	[smem:$0x3FAE] =	sst s10  }
0x35: {  	s10 =	sld [smem:$0x3FAD];
	_ =	sdelay $0x3  }
0x36: {  	p1 =	seq.s32 s10, $0x1;
	s10 =	sld [smem:$0x3FAE];
	_ =	sdelay $0x3  }
0x37: {  	[smem:$0x3FAE] =	sst s10  }
0x38: {  	s10 =	sld [smem:$0x3FAF]  }
0x39: {  	_ = 	snop;
	(pc) =	sbr.ind lr, $3  }
0x3a: {  	_ = 	snop  }
0x3b: {  	_ = 	snop  }
0x3c: {  	p2 =	seq.s32 s10, $0x1;
	s10 =	sld [smem:$0x3FAE]  }
0x3d: {  	_ =	shalt  }
0x3e: {  	_ =	shalt  }
0x3f: {  	_ =	shalt  }
0x40: {  	_ =	shalt  }
0x41: {  	_ =	shalt  }
0x42: {  	_ =	shalt  }
0x43: {  	_ =	shalt  }
0x44: {  	_ =	shalt  }
0x45: {  	_ =	shalt  }
0x46: {  	_ =	shalt  }
0x47: {  	_ =	shalt  }
0x48: {  	_ =	shalt  }
0x49: {  	_ =	shalt  }
0x4a: {  	_ =	shalt  }
0x4b: {  	_ =	shalt  }
0x4c: {  	_ =	shalt  }
0x4d: {  	_ =	shalt  }
0x4e: {  	_ =	shalt  }
0x4f: {  	_ =	shalt  }
0x50: {  	_ =	shalt  }
0x51: {  	_ =	shalt  }
0x52: {  	_ =	shalt  }
0x53: {  	_ =	shalt  }
0x54: {  	_ =	shalt  }
0x55: {  	_ =	shalt  }
0x56: {  	_ =	shalt  }
0x57: {  	_ =	shalt  }
0x58: {  	_ =	shalt  }
0x59: {  	_ =	shalt  }
0x5a: {  	_ =	shalt  }
0x5b: {  	_ =	shalt  }
0x5c: {  	_ =	shalt  }
0x5d: {  	_ =	shalt  }
0x5e: {  	_ =	shalt  }
0x5f: {  	_ =	shalt  }
0x60: {  	_ =	shalt  }
0x61: {  	_ =	shalt  }
0x62: {  	_ =	shalt  }
0x63: {  	_ =	shalt  }
0x64: {  	_ =	shalt  }
0x65: {  	_ =	shalt  }
0x66: {  	_ =	shalt  }
0x67: {  	_ =	shalt  }
0x68: {  	_ =	shalt  }
0x69: {  	_ =	shalt  }
0x6a: {  	_ =	shalt  }
0x6b: {  	_ =	shalt  }
0x6c: {  	_ =	shalt  }
0x6d: {  	_ =	shalt  }
0x6e: {  	_ =	shalt  }
0x6f: {  	_ =	shalt  }
0x70: {  	_ =	shalt  }
0x71: {  	_ =	shalt  }
0x72: {  	_ =	shalt  }
0x73: {  	_ =	shalt  }
0x74: {  	_ =	shalt  }
0x75: {  	_ =	shalt  }
0x76: {  	_ =	shalt  }
0x77: {  	_ =	shalt  }
0x78: {  	_ =	shalt  }
0x79: {  	_ =	shalt  }
0x7a: {  	_ =	shalt  }
0x7b: {  	_ =	shalt  }
0x7c: {  	_ =	shalt  }
0x7d: {  	_ =	shalt  }
0x7e: {  	_ =	shalt  }
0x7f: {  	_ =	shalt  }
0x80: {  	_ =	shalt  }
0x81: {  	_ =	shalt  }
0x82: {  	_ =	shalt  }
0x83: {  	_ =	shalt  }
0x84: {  	_ =	shalt  }
0x85: {  	_ =	shalt  }
0x86: {  	_ =	shalt  }
0x87: {  	_ =	shalt  }
.Lfunc_end0:
.L_simem_size_0:
called_computation.1_lowered:
.L_overlay_start_0:
0x88: {  	s2 =	sld [smem:$0x3FD9]  }
0x89: {  	s3 =	sld [smem:$0x3FFE];
	_ =	sdelay $0x1  }
0x8a: {  	s1 =	srdreg.scid  }
0x8b: {  	s0 =	sand.u32 $0x1, s1  }
0x8c: {  	s17 =	sshll.u32 s0, $0xA;
	s2 =	sadd.s32 s3, s2  }
0x8d: {  	s2 =	sadd.s32 s2, s17  }
0x8e: {  	[smem:$0x3FBA] =	sst s2  }
0x8f: {  	_ = 	snop  }
0x90: {  	s2 =	sld [smem:$0x3FC9]  }
0x91: {  	s18 =	sld [smem:$0x3FD0];
	(tm) =	ssettm $0x1  }
0x92: {  	s4 =	sld [smem:$0x3FFB];
	_ =	sdelay $0x3  }
0x93: {  	_ =	strace s4  }
0x94: {  	s4 =	sld [smem:$0x3FFC];
	_ =	sdelay $0x3  }
0x95: {  	_ =	strace s4  }
0x96: {  	s4 =	sld [smem:$0x3FFD];
	_ =	sdelay $0x3  }
0x97: {  	_ =	strace s4  }
0x98: {  	_ =	strace $0x8FFFFFFF  }
0x99: {  	s19 =	sld [smem:$0x3FDB];
	_ =	sdelay $0x1  }
0x9a: {  	s5 =	simm.s32 $_scs_section_size  }
0x9b: {  	s6 =	simm.s32 $_size__tile_overlayer_lowered;
	s7 =	simm.s32 $_tile_overlayer_lowered  }
0x9c: {  	s22 =	simm.s32 $0x1BFF;
	s21 =	sshll.u32 s7, $0x1;
	s4 =	sadd.s32 s5, s19  }
0x9d: {  	s8 =	simm.s32 $0x0;
	s20 =	sshll.u32 s6, $0x1;
	s6 =	sadd.s32 s21, s4  }
0x9e: {  	[timem:s8], [sflag:s22] =	dma.local [hbm:s6], s20  }
0x9f: {  	_ =	swait.ge [sflag:s22], s20  }
0xa0: {  	s5 =	ssub.s32 $0x0, s20;
	[sflag:s22] =	ssyncset.done $0x0  }
0xa1: {  	[sflag:s22] =	ssyncadd.s32 s5;
	_ =	sdelay $0x1  }
0xa2: {  	s23 =	simm.s32 $0x1B8B  }
0xa3: {  	_ =	swait.ge [sflag:s23], $0x1  }
0xa4: {  	[sflag:s23] =	ssyncset.done $0x0  }
0xa5: {  	s25 =	simm.s32 $0x1B8E;
	s24 =	sld [smem:$0x3FFE];
	[sflag:s23] =	ssyncadd.s32 $0xFFFFFFFF  }
0xa6: {  	s26 =	simm.s32 $execute0_lowered;
	[smem:$0x3FD2] =	sst s25  }
0xa7: {  	s6 =	sshll.u32 s26, $0x1;
	_ =	strace $0x80000046;
	[dreg:$0x1] =	wrdreg $0xFFFFFFFF  }
0xa8: {  	s28 =	simm.s32 $_size_execute0_lowered;
	s4 =	sadd.s32 s4, s6;
	[dreg:$0x0] =	wrdreg $0x0  }
0xa9: {  	s6 =	sshll.u32 s28, $0x1;
	[dreg:$0x2] =	wrdreg s4  }
0xaa: {  	[dreg:$0x3] =	wrdreg s6  }
0xab: {  	[dreg:$0x4] =	wrdreg $0xC0  }
0xac: {  	_ =	task [dreg:s8], $0x5FFFF  }
0xad: {  	[dreg:$0x1] =	wrdreg $0xFFFFFFFF  }
0xae: {  	[dreg:$0x0] =	wrdreg $0x60  }
0xaf: {  	[dreg:$0x2] =	wrdreg s2  }
0xb0: {  	[dreg:$0x3] =	wrdreg s18  }
0xb1: {  	[dreg:$0x4] =	wrdreg s24  }
0xb2: {  	[dreg:$0x5] =	wrdreg $0xA  }
0xb3: {  	_ =	task.clear_ibuf [dreg:s8], $0x6FFFF;
	_ =	strace $0x90000046  }
0xb4: {  	s29 =	simm.s32 $0xA;
	_ =	strace $0x80000048  }
0xb5: {  	_ =	swait.ge [sflag:s29], $0x1  }
0xb6: {  	[sflag:s29] =	ssyncadd.s32 $0xFFFFFFFF  }
0xb7: {  	_ =	strace $0x90000048  }
0xb8: {  	_ =	sfence  }
0xb9: {  	s30 =	sld [smem:$0x0];
	_ =	sdelay $0x2  }
0xba: {  	s31 =	sshll.u32 s1, $0xD;
	s1 =	sshrl.u32 s1, $0x2  }
0xbb: {  	s3 =	sand.u32 $0x4000, s31;
	s1 =	sadd.s32 s1, s30  }
0xbc: {  	s0 =	sor.u32 s3, s0;
	s1 =	sshll.u32 s1, $0x11  }
0xbd: {  	s0 =	sor.u32 s1, s0  }
0xbe: {  	s0 =	sadd.s32 $0x8F2B, s0  }
0xbf: {  	[sflag:s0] =	ssyncadd.remote.s32 $0x1  }
0xc0: {  	_ =	sfence.sel $0xFFFF  }
0xc1: {  	[dreg:$0x0] =	wrdreg $0xFFFFFFFF;
	(pc) =	sbr.abs _section_cstart, $3  }
0xc2: {  	[dreg:$0x1] =	wrdreg $0xFFFFFFFF  }
0xc3: {  	_ =	task.clear_ibuf [dreg:s8], $0x2FFFF;
	_ =	strace $0x9FFFFFFF  }
0xc4: {  	(tm) =	ssettm $0x7FFFFFFF  }
0xc5: {  	_ =	shalt  }
tec
execute0_lowered:
.L_overlay_start_1:
0x0: {  	(tag) =	ssettag $0x1  }
0x1: {  	s5 =	rddreg [dreg:$0x0]  }
0x2: {  	s1 =	rddreg [dreg:$0x1]  }
0x3: {  	s6 =	rddreg [dreg:$0x2]  }
0x4: {  	s0 =	rddreg [dreg:$0x3]  }
0x5: {  	s4 =	srdreg.scid;
	s3 =	simm.s32 $0x0;
	s2 =	stileid.u32  }
0x6: {  	s10 =	simm.s32 $0x1;
	s11 =	simm.s32 $0xA00;
	s12 =	simm.s32 $0x0  }
0x7: {  	s7 =	sand.u32 $0x1, s4;
	[smem:$0x7FF] =	sst s3;
	s30 =	sshll.u32 s2, $0xA  }
0x8: {  	s4 =	sadd.s32 $0xF43E00, s6;
	s8 =	sshll.u32 s7, $0x9;
	s7 =	ssub.s32 $0x2, s7  }
0x9: {  	_ =	strace $0x80000047;
	s8 =	sor.u32 s8, s30;
	s31 =	sshrl.u32 s7, $0x1  }
0xa: {  	s9 =	sshll.u32 s8, $0x3;
	s8 =	sshrl.u32 s8, $0x3;
	s7 =	ssub.s32 s7, s31  }
0xb: {  	s6 =	sadd.s32 s9, s6;
	s5 =	sadd.s32 s5, s8;
	s7 =	smax.u32 s7, $0x1  }
0xc: {  	s8 =	simm.s32 $0x2;
	s9 =	simm.s32 $0x200;
	s6 =	sadd.s32 $0x1A00, s6  }
.LBB2_1:
0xd: {  	[tilespmem:s3], [sflag:$0x2] =	stream.linear.gather [hbm4b:s5+s3], $0x200, $0x38;
	[tilespmem:$0x8A00] =	vst v63  }
0xe: {  	_ =	swait.ge [sflag:s8], $0x200  }
0xf: {  	[sflag:s8] =	ssyncset.done $0x0  }
0x10: {  	[sflag:s8] =	ssyncadd.s32 $0xFFFFFE00  }
0x11: {  	[tilespmem:s9], [sflag:$0x2] =	stream.linear.gather [hbm4b:s1+s3], $0x800, $0x38;
	[tilespmem:$0x8A00] =	vst v63  }
0x12: {  	_ =	swait.ge [sflag:s8], $0x800  }
0x13: {  	[sflag:s8] =	ssyncset.done $0x0  }
0x14: {  	s13 =	sand.u32 $0x7C0, s3;
	s14 =	sand.u32 $0x780, s3;
	[sflag:s8] =	ssyncadd.s32 $0xFFFFF800  }
0x15: {  	s13 =	sshrl.u32 s13, $0x2;
	v0 =	vld [tilespmem:s14+$0x200]  }
0x16: {  	v1 =	vld [tilespmem:s13+$0x0];
	_ =	sdelay $0x4  }
0x17: {  	v0 =	vmul.u32 v1, v0;
	_ =	sdelay $0x1  }
0x18: {  	v0 =	vxor.u32 $0x80000000, v0  }
0x19: {  	(xrf0) =	vmax.scan.msk.u32 $0xffff, v0;
	_ =	sdelay $0x5  }
0x1a: {  	v0, _, _ =	vpop (xrf0)  }
0x1b: {  	(v2sf) =	vpush v0, $0xF;
	_ =	sdelay $0xe  }
0x1c: {  	s30 =	spop (v2sf)  }
0x1d: {  	s13 =	sshll.u32 s30, $0x3  }
0x1e: {  	s15 =	simm.s32 $0x80;
	s14 =	simm.s32 $0x4;
	s13 =	sand.u32 $0x1FFFFFF8, s13  }
0x1f: {  	s15 =	sand.u32 $0x780, s15;
	s31 =	sand.u32 $0x7C0, s14;
	s13 =	sadd.s32 s4, s13  }
0x20: {  	[tilespmem:s11], [sflag:$0x1] =	stream.linear.gather [hbm4b:s13+s3], $0x40, $0x38;
	[tilespmem:$0x8A00] =	vst v63  }
0x21: {  	s16 =	sshrl.u32 s31, $0x2;
	s13 =	simm.s32 $0xA00;
	v0 =	vld [tilespmem:s15+$0x200];
	s15 =	simm.s32 $0x100  }
.LBB2_2:
0x22: {  	p0 =	sne.s32 s15, $0xFF80;
	v1 =	vld [tilespmem:s16+$0x0];
	_ =	sdelay $0x4  }
0x23: {  	v0 =	vmul.u32 v1, v0;
	_ =	sdelay $0x1  }
0x24: {  	v0 =	vxor.u32 $0x80000000, v0  }
0x25: {  	(xrf0) =	vmax.scan.msk.u32 $0xffff, v0;
	_ =	sdelay $0x5  }
0x26: {  	v0, _, _ =	vpop (xrf0)  }
0x27: {  	(v2sf) =	vpush v0, $0xF;
	_ =	sdelay $0xe  }
0x28: {  	s16 =	spop (v2sf)  }
.Ltmp0:
0x29: {  	s16 =	sshll.u32 s16, $0x3;
	(pc) =	sbr.rel @p0 .LBB2_2-.Ltmp0, $4  }
0x2a: {  	s14 =	sadd.s32 $0x4, s14;
	s13 =	sadd.s32 $0x40, s13;
	s16 =	sand.u32 $0x1FFFFFF8, s16  }
0x2b: {  	s18 =	sand.u32 $0x780, s15;
	s17 =	sand.u32 $0x7C0, s14;
	s16 =	sadd.s32 s4, s16  }
0x2c: {  	[tilespmem:s13], [sflag:$0x1] =	stream.linear.gather [hbm4b:s16+s3], $0x40, $0x38;
	[tilespmem:$0x8A00] =	vst v63  }
0x2d: {  	s15 =	sadd.s32 $0x80, s15;
	s16 =	sshrl.u32 s17, $0x2;
	v0 =	vld [tilespmem:s18+$0x200]  }
0x2e: {  	v1 =	vld [tilespmem:s16+$0x0];
	_ =	sdelay $0x4  }
0x2f: {  	v0 =	vmul.u32 v1, v0;
	_ =	sdelay $0x1  }
0x30: {  	v0 =	vxor.u32 $0x80000000, v0  }
0x31: {  	(xrf0) =	vmax.scan.msk.u32 $0xffff, v0;
	_ =	sdelay $0x5  }
0x32: {  	v0, _, _ =	vpop (xrf0)  }
0x33: {  	(v2sf) =	vpush v0, $0xF;
	_ =	sdelay $0xe  }
0x34: {  	s14 =	spop (v2sf)  }
0x35: {  	s14 =	sshll.u32 s14, $0x3  }
0x36: {  	s14 =	sand.u32 $0x1FFFFFF8, s14  }
0x37: {  	s13 =	sadd.s32 $0x40, s13;
	s14 =	sadd.s32 s4, s14  }
0x38: {  	[tilespmem:s13], [sflag:$0x1] =	stream.linear.gather [hbm4b:s14+s3], $0x40, $0x38;
	[tilespmem:$0x8A00] =	vst v63  }
0x39: {  	_ =	swait.ge [sflag:s10], $0x40  }
0x3a: {  	s13 =	simm.s32 $0x1FF;
	[sflag:s10] =	ssyncset.done $0x0  }
.LBB2_4:
0x3b: {  	p0 =	sne.s32 s13, $0x1;
	s13 =	sadd.s32 $0xFFFFFFFF, s13;
	[sflag:s10] =	ssyncadd.s32 $0xFFFFFFC0  }
.Ltmp1:
0x3c: {  	(pc) =	sbr.rel @p0 .LBB2_4-.Ltmp1, $3  }
0x3d: {  	_ =	sdelay $0x1  }
0x3e: {  	_ =	swait.ge [sflag:s10], $0x40  }
0x3f: {  	[sflag:s10] =	ssyncset.done $0x0  }
0x40: {  	s12 =	sadd.s32 $0x1, s12  }
0x41: {  	p0 =	sne.s32 s12, s7  }
.Ltmp2:
0x42: {  	[sflag:s10] =	ssyncadd.s32 $0xFFFFFFC0;
	(pc) =	sbr.rel @p0 .LBB2_1-.Ltmp2, $4  }
0x43: {  	[hbm4b:s6+s3] =	stream.linear.scatter [tilespmem:s11], [sflag:$0x2], $0x8000, $0x38;
	[tilespmem:$0x8A00] =	vst v63  }
0x44: {  	_ =	swait.ge [sflag:s8], $0x8000  }
0x45: {  	[sflag:s8] =	ssyncset.done $0x0  }
0x46: {  	[sflag:s8] =	ssyncadd.s32 $0xFFFF8000  }
0x47: {  	_ =	sfence.sel $0x180000  }
0x48: {  	[bflag:$0x0] =	sbarrier.arrive $0xFFFF  }
0x49: {  	p0 =	sne.s32 s2, $0x0;
	_ =	strace $0x90000047  }
0x4a: {  	s0 =	sadd.s32 @!p0 $0x100000, s0;
	[bflag:$0x2] =	sbarrier.arrive $0xFFFF  }
0x4b: {  	[sflag:s0] =	ssyncadd.tile.s32 @!p0 $0x1;
	_ =	shalt  }
.Lfunc_end2:
_tile_overlayer_lowered:
.L_overlay_start_2:
0x4c: {  	(tag) =	ssettag $0x2  }
0x4d: {  	s0 =	rddreg [dreg:$0x0];
	s2 =	stileid.u32  }
0x4e: {  	s1 =	rddreg [dreg:$0x1];
	p0 =	sne.s32 s2, $0x0  }
0x4f: {  	s3 =	rddreg [dreg:$0x2];
	[bflag:$0x3] =	sbarrier.arrive $0xFFFF;
	s2 =	simm.s32 @!p0 $0x1C02  }
0x50: {  	[timem:s3], [sflag:s2] =	dma.local @!p0 [hbm:s0], s1  }
0x51: {  	s0 =	simm.s32 @!p0 $0x2  }
0x52: {  	_ =	swait.ge @!p0 [sflag:s0], s1  }
0x53: {  	s1 =	ssub.s32 @!p0 $0x0, s1;
	[sflag:s0] =	ssyncset.done @!p0 $0x0  }
0x54: {  	[sflag:s0] =	ssyncadd.s32 @!p0 s1  }
0x55: {  	[bflag:$0x3] =	sbarrier.arrive $0xFFFF  }
0x56: {  	_ =	shalt  }

</sc_bundles>
